<compile_context>
chip_gen: v7x
topology: tpu7x:2x2x1
jax: 0.10.2.dev20260603
libtpu: 0.0.44.dev20260713+nightly
codegen_flags: <defaults>
</compile_context>

<pallas_src>
import functools

import jax
import jax.numpy as jnp
from jax import lax
from jax.experimental import pallas as pl
from jax.experimental.pallas import tpu as pltpu
from jax.experimental.pallas import tpu_sc as plsc

N_NODES = 100000
N_EDGES = 6400000
NUM_TYPES = 64

_INFO = plsc.get_sparse_core_info()
_NC = _INFO.num_cores
_NS = _INFO.num_subcores
_NW = _NC * _NS
_L = _INFO.num_lanes

_E_PER_W = N_EDGES // _NW
_CHUNK = 2000
_N_CHUNKS = _E_PER_W // _CHUNK


_NBUF = 2
_UNROLL = 5


def _sc_body(ei_hbm, types_hbm, eng_hbm, scales_hbm, shifts_hbm, out_hbm,
             types_v, scales_v, shifts_v, cidx0, cidx1, nidx0, nidx1,
             eng0, eng1, outv0, outv1, in_sem0, in_sem1, out_sem0, out_sem1):
    wid = lax.axis_index("s") * _NC + lax.axis_index("c")
    wstart = wid * _E_PER_W
    cidx_b = (cidx0, cidx1)
    nidx_b = (nidx0, nidx1)
    eng_b = (eng0, eng1)
    outv_b = (outv0, outv1)
    in_sems = (in_sem0, in_sem1)
    out_sems = (out_sem0, out_sem1)

    pltpu.sync_copy(types_hbm, types_v)
    pltpu.sync_copy(scales_hbm, scales_v)
    pltpu.sync_copy(shifts_hbm, shifts_v)

    def start_in(base, b):
        pltpu.async_copy(ei_hbm.at[pl.ds(base, _CHUNK)], cidx_b[b], in_sems[b])
        pltpu.async_copy(ei_hbm.at[pl.ds(N_EDGES + base, _CHUNK)], nidx_b[b],
                         in_sems[b])
        pltpu.async_copy(eng_hbm.at[pl.ds(base, _CHUNK)], eng_b[b], in_sems[b])

    def wait_in(b):
        pltpu.make_async_copy(ei_hbm.at[pl.ds(0, _CHUNK)], cidx_b[b],
                              in_sems[b]).wait()
        pltpu.make_async_copy(ei_hbm.at[pl.ds(0, _CHUNK)], nidx_b[b],
                              in_sems[b]).wait()
        pltpu.make_async_copy(eng_hbm.at[pl.ds(0, _CHUNK)], eng_b[b],
                              in_sems[b]).wait()

    def wait_out(b):
        pltpu.make_async_copy(outv_b[b], out_hbm.at[pl.ds(0, _CHUNK)],
                              out_sems[b]).wait()

    start_in(wstart, 0)
    start_in(wstart + _CHUNK, 1)

    def outer(io, carry):
        for b in range(_NBUF):
            i = io * _NBUF + b
            base = wstart + i * _CHUNK
            wait_in(b)

            @pl.when(i >= _NBUF)
            def _():
                wait_out(b)

            cidx = cidx_b[b]
            nidx = nidx_b[b]
            eng = eng_b[b]
            outv = outv_b[b]

            @plsc.parallel_loop(0, _CHUNK // _L, 1, unroll=_UNROLL)
            def lane_body(j):
                off = j * _L
                c = cidx[pl.ds(off, _L)]
                n = nidx[pl.ds(off, _L)]
                cs = plsc.load_gather(types_v, [c])
                ns = plsc.load_gather(types_v, [n])
                flat = cs * NUM_TYPES + ns
                sc = plsc.load_gather(scales_v, [flat])
                sh = plsc.load_gather(shifts_v, [flat])
                x = eng[pl.ds(off, _L)]
                outv[pl.ds(off, _L)] = sc * x + sh

            pltpu.async_copy(outv, out_hbm.at[pl.ds(base, _CHUNK)], out_sems[b])

            @pl.when(i + _NBUF < _N_CHUNKS)
            def _():
                start_in(base + _NBUF * _CHUNK, b)

        return carry

    lax.fori_loop(0, _N_CHUNKS // _NBUF, outer, 0)
    wait_out(0)
    wait_out(1)


_mesh = plsc.VectorSubcoreMesh(core_axis_name="c", subcore_axis_name="s")

_sc_kernel = functools.partial(
    pl.kernel,
    mesh=_mesh,
    out_type=jax.ShapeDtypeStruct((N_EDGES,), jnp.float32),
    compiler_params=pltpu.CompilerParams(needs_layout_passes=False),
    scratch_types=[
        pltpu.VMEM((N_NODES,), jnp.int32),
        pltpu.VMEM((NUM_TYPES * NUM_TYPES,), jnp.float32),
        pltpu.VMEM((NUM_TYPES * NUM_TYPES,), jnp.float32),
        pltpu.VMEM((_CHUNK,), jnp.int32),
        pltpu.VMEM((_CHUNK,), jnp.int32),
        pltpu.VMEM((_CHUNK,), jnp.int32),
        pltpu.VMEM((_CHUNK,), jnp.int32),
        pltpu.VMEM((_CHUNK,), jnp.float32),
        pltpu.VMEM((_CHUNK,), jnp.float32),
        pltpu.VMEM((_CHUNK,), jnp.float32),
        pltpu.VMEM((_CHUNK,), jnp.float32),
        pltpu.SemaphoreType.DMA,
        pltpu.SemaphoreType.DMA,
        pltpu.SemaphoreType.DMA,
        pltpu.SemaphoreType.DMA,
    ],
)(_sc_body)


def kernel(edge_index, atom_types, edge_energy, scales, shifts):
    ei_flat = edge_index.reshape(-1)
    eng_flat = edge_energy.reshape(-1)
    scales_flat = scales.reshape(-1)
    shifts_flat = shifts.reshape(-1)
    out = _sc_kernel(ei_flat, atom_types, eng_flat, scales_flat, shifts_flat)
    return out.reshape(-1, 1)

# --- scband reference (transcript-rebuilt; emitter-appended) ---
"""Pipeline reference for scband-per-edge-species-scale-shift-3298534884217 (READ-ONLY COPY).

The authoritative reference and input builder live on the scoring server;
editing this copy changes nothing except your own understanding.
"""

import jax, jax.numpy as jnp
import numpy as np

N_NODES = 100000
N_EDGES = 6400000
NUM_TYPES = 64


def setup_inputs(seed: int = 0) -> dict:
    key = jax.random.key(seed)
    k1, k2, k3, k4, k5 = jax.random.split(key, 5)
    edge_index = jax.random.randint(k1, (2, N_EDGES), 0, N_NODES, dtype=jnp.int32)
    atom_types = jax.random.randint(k2, (N_NODES,), 0, NUM_TYPES, dtype=jnp.int32)
    edge_energy = jax.random.normal(k3, (N_EDGES, 1), dtype=jnp.float32)
    # Learned per-species-pair parameters (num_types x num_types), initialized
    # around the scalar init values scales=[1.0], shifts=[0.0].
    scales = 1.0 + 0.05 * jax.random.normal(k4, (NUM_TYPES, NUM_TYPES), dtype=jnp.float32)
    shifts = 0.1 * jax.random.normal(k5, (NUM_TYPES, NUM_TYPES), dtype=jnp.float32)
    return {
        "edge_index": edge_index,
        "atom_types": atom_types,
        "edge_energy": edge_energy,
        "scales": scales,
        "shifts": shifts,
    }


def reference(edge_index, atom_types, edge_energy, scales, shifts):
    # edge_center / edge_neighbor
    edge_center = edge_index[0]
    edge_neighbor = edge_index[1]
    species_idx = atom_types.reshape(-1)
    center_species = jnp.take(species_idx, edge_center, axis=0)
    neighbor_species = jnp.take(species_idx, edge_neighbor, axis=0)
    in_field = edge_energy
    # has_scales: per-pair scale gather [E] -> [E,1]
    edge_scales = scales[center_species, neighbor_species].reshape(-1, 1)
    in_field = edge_scales * in_field
    # has_shifts: per-pair shift gather [E] -> [E,1]
    edge_shifts = shifts[center_species, neighbor_species].reshape(-1, 1)
    in_field = edge_shifts + in_field
    return in_field

if __name__ == "__main__":
    import jax
    _d = setup_inputs()
    print(jax.jit(kernel)(*tuple(_d.values())))

</pallas_src>

<mosaic_0001>
#map = affine_map<(d0, d1) -> (0)>
module attributes {stable_mosaic.version = 14 : i64} {
  func.func @_sc_body(%arg0: i32, %arg1: i32, %arg2: memref<12800000xi32, #tpu.memory_space<hbm>>, %arg3: memref<100000xi32, #tpu.memory_space<hbm>>, %arg4: memref<6400000xf32, #tpu.memory_space<hbm>>, %arg5: memref<4096xf32, #tpu.memory_space<hbm>>, %arg6: memref<4096xf32, #tpu.memory_space<hbm>>, %arg7: memref<6400000xf32, #tpu.memory_space<hbm>>, %arg8: memref<100000xi32, #tpu.memory_space<vmem>>, %arg9: memref<4096xf32, #tpu.memory_space<vmem>>, %arg10: memref<4096xf32, #tpu.memory_space<vmem>>, %arg11: memref<2000xi32, #tpu.memory_space<vmem>>, %arg12: memref<2000xi32, #tpu.memory_space<vmem>>, %arg13: memref<2000xi32, #tpu.memory_space<vmem>>, %arg14: memref<2000xi32, #tpu.memory_space<vmem>>, %arg15: memref<2000xf32, #tpu.memory_space<vmem>>, %arg16: memref<2000xf32, #tpu.memory_space<vmem>>, %arg17: memref<2000xf32, #tpu.memory_space<vmem>>, %arg18: memref<2000xf32, #tpu.memory_space<vmem>>, %arg19: memref<!tpu.dma_semaphore, #tpu.memory_space<semaphore_mem>>, %arg20: memref<!tpu.dma_semaphore, #tpu.memory_space<semaphore_mem>>, %arg21: memref<!tpu.dma_semaphore, #tpu.memory_space<semaphore_mem>>, %arg22: memref<!tpu.dma_semaphore, #tpu.memory_space<semaphore_mem>>) attributes {dimension_semantics = [#tpu.dimension_semantics<core_parallel>, #tpu.dimension_semantics<subcore_parallel>], iteration_bounds = array<i64: 2, 16>, scalar_prefetch = 0 : i64, scratch_operands = 15 : i64, tpu.core_type = #tpu.core_type<sc_vector_subcore>, window_params = [{transform_indices = #map}, {transform_indices = #map}, {transform_indices = #map}, {transform_indices = #map}, {transform_indices = #map}, {transform_indices = #map}]} {
    %mul3A = arith.constant 2 : i32
    %mul3A_0 = arith.muli %arg1, %mul3A : i32
    %add3A = arith.addi %mul3A_0, %arg0 : i32
    %mul3A_1 = arith.constant 200000 : i32
    %mul3A_2 = arith.muli %add3A, %mul3A_1 : i32
    "tpu.region"() ({
      %run_scoped3A = tpu.sem_alloc : memref<!tpu.dma_semaphore, #tpu.memory_space<semaphore_mem>>
      tpu.enqueue_dma source(%arg3 : memref<100000xi32, #tpu.memory_space<hbm>>) target(%arg8 : memref<100000xi32, #tpu.memory_space<vmem>>) target_semaphore(%run_scoped3A : memref<!tpu.dma_semaphore, #tpu.memory_space<semaphore_mem>>)
      tpu.wait_dma2 semaphore(%run_scoped3A : memref<!tpu.dma_semaphore, #tpu.memory_space<semaphore_mem>>) src(%arg3 : memref<100000xi32, #tpu.memory_space<hbm>>) dst(%arg8 : memref<100000xi32, #tpu.memory_space<vmem>>)
      tpu.yield
    }) : () -> ()
    "tpu.region"() ({
      %run_scoped3A = tpu.sem_alloc : memref<!tpu.dma_semaphore, #tpu.memory_space<semaphore_mem>>
      tpu.enqueue_dma source(%arg5 : memref<4096xf32, #tpu.memory_space<hbm>>) target(%arg9 : memref<4096xf32, #tpu.memory_space<vmem>>) target_semaphore(%run_scoped3A : memref<!tpu.dma_semaphore, #tpu.memory_space<semaphore_mem>>)
      tpu.wait_dma2 semaphore(%run_scoped3A : memref<!tpu.dma_semaphore, #tpu.memory_space<semaphore_mem>>) src(%arg5 : memref<4096xf32, #tpu.memory_space<hbm>>) dst(%arg9 : memref<4096xf32, #tpu.memory_space<vmem>>)
      tpu.yield
    }) : () -> ()
    "tpu.region"() ({
      %run_scoped3A = tpu.sem_alloc : memref<!tpu.dma_semaphore, #tpu.memory_space<semaphore_mem>>
      tpu.enqueue_dma source(%arg6 : memref<4096xf32, #tpu.memory_space<hbm>>) target(%arg10 : memref<4096xf32, #tpu.memory_space<vmem>>) target_semaphore(%run_scoped3A : memref<!tpu.dma_semaphore, #tpu.memory_space<semaphore_mem>>)
      tpu.wait_dma2 semaphore(%run_scoped3A : memref<!tpu.dma_semaphore, #tpu.memory_space<semaphore_mem>>) src(%arg6 : memref<4096xf32, #tpu.memory_space<hbm>>) dst(%arg10 : memref<4096xf32, #tpu.memory_space<vmem>>)
      tpu.yield
    }) : () -> ()
    %dma_start3A = tpu.memref_slice %arg2[%mul3A_2] : memref<12800000xi32, #tpu.memory_space<hbm>> -> memref<2000xi32, #tpu.memory_space<hbm>>
    %dma_start3A_3 = tpu.memref_slice %arg2[%mul3A_2] : memref<12800000xi32, #tpu.memory_space<hbm>> -> memref<2000xi32, #tpu.memory_space<hbm>>
    tpu.enqueue_dma source(%dma_start3A_3 : memref<2000xi32, #tpu.memory_space<hbm>>) target(%arg11 : memref<2000xi32, #tpu.memory_space<vmem>>) target_semaphore(%arg19 : memref<!tpu.dma_semaphore, #tpu.memory_space<semaphore_mem>>)
    %add3A_4 = arith.constant 6400000 : i32
    %add3A_5 = arith.addi %add3A_4, %mul3A_2 : i32
    %dma_start3A_6 = tpu.memref_slice %arg2[%add3A_5] : memref<12800000xi32, #tpu.memory_space<hbm>> -> memref<2000xi32, #tpu.memory_space<hbm>>
    %dma_start3A_7 = tpu.memref_slice %arg2[%add3A_5] : memref<12800000xi32, #tpu.memory_space<hbm>> -> memref<2000xi32, #tpu.memory_space<hbm>>
    tpu.enqueue_dma source(%dma_start3A_7 : memref<2000xi32, #tpu.memory_space<hbm>>) target(%arg13 : memref<2000xi32, #tpu.memory_space<vmem>>) target_semaphore(%arg19 : memref<!tpu.dma_semaphore, #tpu.memory_space<semaphore_mem>>)
    %dma_start3A_8 = tpu.memref_slice %arg4[%mul3A_2] : memref<6400000xf32, #tpu.memory_space<hbm>> -> memref<2000xf32, #tpu.memory_space<hbm>>
    %dma_start3A_9 = tpu.memref_slice %arg4[%mul3A_2] : memref<6400000xf32, #tpu.memory_space<hbm>> -> memref<2000xf32, #tpu.memory_space<hbm>>
    tpu.enqueue_dma source(%dma_start3A_9 : memref<2000xf32, #tpu.memory_space<hbm>>) target(%arg15 : memref<2000xf32, #tpu.memory_space<vmem>>) target_semaphore(%arg19 : memref<!tpu.dma_semaphore, #tpu.memory_space<semaphore_mem>>)
    %add3A_10 = arith.constant 2000 : i32
    %add3A_11 = arith.addi %mul3A_2, %add3A_10 : i32
    %dma_start3A_12 = tpu.memref_slice %arg2[%add3A_11] : memref<12800000xi32, #tpu.memory_space<hbm>> -> memref<2000xi32, #tpu.memory_space<hbm>>
    %dma_start3A_13 = tpu.memref_slice %arg2[%add3A_11] : memref<12800000xi32, #tpu.memory_space<hbm>> -> memref<2000xi32, #tpu.memory_space<hbm>>
    tpu.enqueue_dma source(%dma_start3A_13 : memref<2000xi32, #tpu.memory_space<hbm>>) target(%arg12 : memref<2000xi32, #tpu.memory_space<vmem>>) target_semaphore(%arg20 : memref<!tpu.dma_semaphore, #tpu.memory_space<semaphore_mem>>)
    %add3A_14 = arith.constant 6400000 : i32
    %add3A_15 = arith.addi %add3A_14, %add3A_11 : i32
    %dma_start3A_16 = tpu.memref_slice %arg2[%add3A_15] : memref<12800000xi32, #tpu.memory_space<hbm>> -> memref<2000xi32, #tpu.memory_space<hbm>>
    %dma_start3A_17 = tpu.memref_slice %arg2[%add3A_15] : memref<12800000xi32, #tpu.memory_space<hbm>> -> memref<2000xi32, #tpu.memory_space<hbm>>
    tpu.enqueue_dma source(%dma_start3A_17 : memref<2000xi32, #tpu.memory_space<hbm>>) target(%arg14 : memref<2000xi32, #tpu.memory_space<vmem>>) target_semaphore(%arg20 : memref<!tpu.dma_semaphore, #tpu.memory_space<semaphore_mem>>)
    %dma_start3A_18 = tpu.memref_slice %arg4[%add3A_11] : memref<6400000xf32, #tpu.memory_space<hbm>> -> memref<2000xf32, #tpu.memory_space<hbm>>
    %dma_start3A_19 = tpu.memref_slice %arg4[%add3A_11] : memref<6400000xf32, #tpu.memory_space<hbm>> -> memref<2000xf32, #tpu.memory_space<hbm>>
    tpu.enqueue_dma source(%dma_start3A_19 : memref<2000xf32, #tpu.memory_space<hbm>>) target(%arg16 : memref<2000xf32, #tpu.memory_space<vmem>>) target_semaphore(%arg20 : memref<!tpu.dma_semaphore, #tpu.memory_space<semaphore_mem>>)
    %scan3A = arith.constant 0 : i32
    %scan3A_20 = arith.constant 0 : i32
    %scan3A_21 = arith.constant 50 : i32
    %scan3A_22 = arith.addi %scan3A_20, %scan3A_21 : i32
    %scan3A_23 = arith.constant 1 : i32
    scf.for %scan3A_32 = %scan3A_20 to %scan3A_22 step %scan3A_23  : i32 {
      %mul3A_33 = arith.constant 2 : i32
      %mul3A_34 = arith.muli %scan3A_32, %mul3A_33 : i32
      %add3A_35 = arith.constant 0 : i32
      %add3A_36 = arith.addi %mul3A_34, %add3A_35 : i32
      %mul3A_37 = arith.constant 2000 : i32
      %mul3A_38 = arith.muli %add3A_36, %mul3A_37 : i32
      %add3A_39 = arith.addi %mul3A_2, %mul3A_38 : i32
      %dma_wait3A_40 = arith.constant 0 : i32
      %dma_wait3A_41 = tpu.memref_slice %arg2[%dma_wait3A_40] : memref<12800000xi32, #tpu.memory_space<hbm>> -> memref<2000xi32, #tpu.memory_space<hbm>>
      %dma_wait3A_42 = arith.constant 0 : i32
      %dma_wait3A_43 = tpu.memref_slice %arg2[%dma_wait3A_42] : memref<12800000xi32, #tpu.memory_space<hbm>> -> memref<2000xi32, #tpu.memory_space<hbm>>
      tpu.wait_dma2 semaphore(%arg19 : memref<!tpu.dma_semaphore, #tpu.memory_space<semaphore_mem>>) src(%dma_wait3A_43 : memref<2000xi32, #tpu.memory_space<hbm>>) dst(%arg11 : memref<2000xi32, #tpu.memory_space<vmem>>)
      %dma_wait3A_44 = arith.constant 0 : i32
      %dma_wait3A_45 = tpu.memref_slice %arg2[%dma_wait3A_44] : memref<12800000xi32, #tpu.memory_space<hbm>> -> memref<2000xi32, #tpu.memory_space<hbm>>
      %dma_wait3A_46 = arith.constant 0 : i32
      %dma_wait3A_47 = tpu.memref_slice %arg2[%dma_wait3A_46] : memref<12800000xi32, #tpu.memory_space<hbm>> -> memref<2000xi32, #tpu.memory_space<hbm>>
      tpu.wait_dma2 semaphore(%arg19 : memref<!tpu.dma_semaphore, #tpu.memory_space<semaphore_mem>>) src(%dma_wait3A_47 : memref<2000xi32, #tpu.memory_space<hbm>>) dst(%arg13 : memref<2000xi32, #tpu.memory_space<vmem>>)
      %dma_wait3A_48 = arith.constant 0 : i32
      %dma_wait3A_49 = tpu.memref_slice %arg4[%dma_wait3A_48] : memref<6400000xf32, #tpu.memory_space<hbm>> -> memref<2000xf32, #tpu.memory_space<hbm>>
      %dma_wait3A_50 = arith.constant 0 : i32
      %dma_wait3A_51 = tpu.memref_slice %arg4[%dma_wait3A_50] : memref<6400000xf32, #tpu.memory_space<hbm>> -> memref<2000xf32, #tpu.memory_space<hbm>>
      tpu.wait_dma2 semaphore(%arg19 : memref<!tpu.dma_semaphore, #tpu.memory_space<semaphore_mem>>) src(%dma_wait3A_51 : memref<2000xf32, #tpu.memory_space<hbm>>) dst(%arg15 : memref<2000xf32, #tpu.memory_space<vmem>>)
      %ge3A = arith.constant 2 : i32
      %ge3A_52 = arith.cmpi sge, %add3A_36, %ge3A : i32
      %convert_element_type3A = arith.extui %ge3A_52 : i1 to i32
      %cond3A = arith.constant 0 : i32
      %cond3A_53 = arith.cmpi ne, %convert_element_type3A, %cond3A : i32
      scf.if %cond3A_53 {
        %dma_wait3A_100 = arith.constant 0 : i32
        %dma_wait3A_101 = tpu.memref_slice %arg7[%dma_wait3A_100] : memref<6400000xf32, #tpu.memory_space<hbm>> -> memref<2000xf32, #tpu.memory_space<hbm>>
        %dma_wait3A_102 = arith.constant 0 : i32
        %dma_wait3A_103 = tpu.memref_slice %arg7[%dma_wait3A_102] : memref<6400000xf32, #tpu.memory_space<hbm>> -> memref<2000xf32, #tpu.memory_space<hbm>>
        tpu.wait_dma2 semaphore(%arg21 : memref<!tpu.dma_semaphore, #tpu.memory_space<semaphore_mem>>) src(%arg17 : memref<2000xf32, #tpu.memory_space<vmem>>) dst(%dma_wait3A_103 : memref<2000xf32, #tpu.memory_space<hbm>>)
      } else {
      }
      %parallel_loop3A = arith.constant 0 : i32
      %parallel_loop3A_54 = arith.constant 125 : i32
      %parallel_loop3A_55 = arith.constant 1 : i32
      scf.for %parallel_loop3A_100 = %parallel_loop3A to %parallel_loop3A_54 step %parallel_loop3A_55  : i32 {
        %parallel_loop3A_101 = arith.constant 16 : i32
        %parallel_loop3A_102 = arith.muli %parallel_loop3A_100, %parallel_loop3A_101 : i32
        %parallel_loop3A_103 = arith.index_cast %parallel_loop3A_102 : i32 to index
        %parallel_loop3A_104 = tpu.vector_load %arg11[%parallel_loop3A_103] {strides = array<i32>} : memref<2000xi32, #tpu.memory_space<vmem>>, vector<16xi32>,
        %parallel_loop3A_105 = arith.index_cast %parallel_loop3A_102 : i32 to index
        %parallel_loop3A_106 = tpu.vector_load %arg13[%parallel_loop3A_105] {strides = array<i32>} : memref<2000xi32, #tpu.memory_space<vmem>>, vector<16xi32>,
        %parallel_loop3A_107 = tpu.vector_load_idx %arg8[%parallel_loop3A_104] : memref<100000xi32, #tpu.memory_space<vmem>>[vector<16xi32>], vector<16xi32>,
        %parallel_loop3A_108 = tpu.vector_load_idx %arg8[%parallel_loop3A_106] : memref<100000xi32, #tpu.memory_space<vmem>>[vector<16xi32>], vector<16xi32>,
        %parallel_loop3A_109 = arith.constant 64 : i32
        %parallel_loop3A_110 = vector.broadcast %parallel_loop3A_109 : i32 to vector<16xi32>
        %parallel_loop3A_111 = arith.muli %parallel_loop3A_107, %parallel_loop3A_110 : vector<16xi32>
        %parallel_loop3A_112 = arith.addi %parallel_loop3A_111, %parallel_loop3A_108 : vector<16xi32>
        %parallel_loop3A_113 = tpu.vector_load_idx %arg9[%parallel_loop3A_112] : memref<4096xf32, #tpu.memory_space<vmem>>[vector<16xi32>], vector<16xf32>,
        %parallel_loop3A_114 = tpu.vector_load_idx %arg10[%parallel_loop3A_112] : memref<4096xf32, #tpu.memory_space<vmem>>[vector<16xi32>], vector<16xf32>,
        %parallel_loop3A_115 = arith.index_cast %parallel_loop3A_102 : i32 to index
        %parallel_loop3A_116 = tpu.vector_load %arg15[%parallel_loop3A_115] {strides = array<i32>} : memref<2000xf32, #tpu.memory_space<vmem>>, vector<16xf32>,
        %parallel_loop3A_117 = arith.mulf %parallel_loop3A_113, %parallel_loop3A_116 : vector<16xf32>
        %parallel_loop3A_118 = arith.addf %parallel_loop3A_117, %parallel_loop3A_114 : vector<16xf32>
        %parallel_loop3A_119 = arith.index_cast %parallel_loop3A_102 : i32 to index
        %parallel_loop3A_120 = tpu.vector_load %arg17[%parallel_loop3A_119] {strides = array<i32>} : memref<2000xf32, #tpu.memory_space<vmem>>, vector<16xf32>,
        tpu.vector_store %arg17[%parallel_loop3A_119], %parallel_loop3A_118 {strides = array<i32>} : memref<2000xf32, #tpu.memory_space<vmem>>, vector<16xf32>,
      } {sc.loop_unroll_factor = 5 : i64, sc.parallel_access}
      %dma_start3A_56 = tpu.memref_slice %arg7[%add3A_39] : memref<6400000xf32, #tpu.memory_space<hbm>> -> memref<2000xf32, #tpu.memory_space<hbm>>
      %dma_start3A_57 = tpu.memref_slice %arg7[%add3A_39] : memref<6400000xf32, #tpu.memory_space<hbm>> -> memref<2000xf32, #tpu.memory_space<hbm>>
      tpu.enqueue_dma source(%arg17 : memref<2000xf32, #tpu.memory_space<vmem>>) target(%dma_start3A_57 : memref<2000xf32, #tpu.memory_space<hbm>>) target_semaphore(%arg21 : memref<!tpu.dma_semaphore, #tpu.memory_space<semaphore_mem>>)
      %add3A_58 = arith.constant 2 : i32
      %add3A_59 = arith.addi %add3A_36, %add3A_58 : i32
      %lt3A = arith.constant 100 : i32
      %lt3A_60 = arith.cmpi slt, %add3A_59, %lt3A : i32
      %convert_element_type3A_61 = arith.extui %lt3A_60 : i1 to i32
      %cond3A_62 = arith.constant 0 : i32
      %cond3A_63 = arith.cmpi ne, %convert_element_type3A_61, %cond3A_62 : i32
      scf.if %cond3A_63 {
        %add3A_100 = arith.constant 4000 : i32
        %add3A_101 = arith.addi %add3A_39, %add3A_100 : i32
        %dma_start3A_102 = tpu.memref_slice %arg2[%add3A_101] : memref<12800000xi32, #tpu.memory_space<hbm>> -> memref<2000xi32, #tpu.memory_space<hbm>>
        %dma_start3A_103 = tpu.memref_slice %arg2[%add3A_101] : memref<12800000xi32, #tpu.memory_space<hbm>> -> memref<2000xi32, #tpu.memory_space<hbm>>
        tpu.enqueue_dma source(%dma_start3A_103 : memref<2000xi32, #tpu.memory_space<hbm>>) target(%arg11 : memref<2000xi32, #tpu.memory_space<vmem>>) target_semaphore(%arg19 : memref<!tpu.dma_semaphore, #tpu.memory_space<semaphore_mem>>)
        %add3A_104 = arith.constant 6400000 : i32
        %add3A_105 = arith.addi %add3A_104, %add3A_101 : i32
        %dma_start3A_106 = tpu.memref_slice %arg2[%add3A_105] : memref<12800000xi32, #tpu.memory_space<hbm>> -> memref<2000xi32, #tpu.memory_space<hbm>>
        %dma_start3A_107 = tpu.memref_slice %arg2[%add3A_105] : memref<12800000xi32, #tpu.memory_space<hbm>> -> memref<2000xi32, #tpu.memory_space<hbm>>
        tpu.enqueue_dma source(%dma_start3A_107 : memref<2000xi32, #tpu.memory_space<hbm>>) target(%arg13 : memref<2000xi32, #tpu.memory_space<vmem>>) target_semaphore(%arg19 : memref<!tpu.dma_semaphore, #tpu.memory_space<semaphore_mem>>)
        %dma_start3A_108 = tpu.memref_slice %arg4[%add3A_101] : memref<6400000xf32, #tpu.memory_space<hbm>> -> memref<2000xf32, #tpu.memory_space<hbm>>
        %dma_start3A_109 = tpu.memref_slice %arg4[%add3A_101] : memref<6400000xf32, #tpu.memory_space<hbm>> -> memref<2000xf32, #tpu.memory_space<hbm>>
        tpu.enqueue_dma source(%dma_start3A_109 : memref<2000xf32, #tpu.memory_space<hbm>>) target(%arg15 : memref<2000xf32, #tpu.memory_space<vmem>>) target_semaphore(%arg19 : memref<!tpu.dma_semaphore, #tpu.memory_space<semaphore_mem>>)
      } else {
      }
      %mul3A_64 = arith.constant 2 : i32
      %mul3A_65 = arith.muli %scan3A_32, %mul3A_64 : i32
      %add3A_66 = arith.constant 1 : i32
      %add3A_67 = arith.addi %mul3A_65, %add3A_66 : i32
      %mul3A_68 = arith.constant 2000 : i32
      %mul3A_69 = arith.muli %add3A_67, %mul3A_68 : i32
      %add3A_70 = arith.addi %mul3A_2, %mul3A_69 : i32
      %dma_wait3A_71 = arith.constant 0 : i32
      %dma_wait3A_72 = tpu.memref_slice %arg2[%dma_wait3A_71] : memref<12800000xi32, #tpu.memory_space<hbm>> -> memref<2000xi32, #tpu.memory_space<hbm>>
      %dma_wait3A_73 = arith.constant 0 : i32
      %dma_wait3A_74 = tpu.memref_slice %arg2[%dma_wait3A_73] : memref<12800000xi32, #tpu.memory_space<hbm>> -> memref<2000xi32, #tpu.memory_space<hbm>>
      tpu.wait_dma2 semaphore(%arg20 : memref<!tpu.dma_semaphore, #tpu.memory_space<semaphore_mem>>) src(%dma_wait3A_74 : memref<2000xi32, #tpu.memory_space<hbm>>) dst(%arg12 : memref<2000xi32, #tpu.memory_space<vmem>>)
      %dma_wait3A_75 = arith.constant 0 : i32
      %dma_wait3A_76 = tpu.memref_slice %arg2[%dma_wait3A_75] : memref<12800000xi32, #tpu.memory_space<hbm>> -> memref<2000xi32, #tpu.memory_space<hbm>>
      %dma_wait3A_77 = arith.constant 0 : i32
      %dma_wait3A_78 = tpu.memref_slice %arg2[%dma_wait3A_77] : memref<12800000xi32, #tpu.memory_space<hbm>> -> memref<2000xi32, #tpu.memory_space<hbm>>
      tpu.wait_dma2 semaphore(%arg20 : memref<!tpu.dma_semaphore, #tpu.memory_space<semaphore_mem>>) src(%dma_wait3A_78 : memref<2000xi32, #tpu.memory_space<hbm>>) dst(%arg14 : memref<2000xi32, #tpu.memory_space<vmem>>)
      %dma_wait3A_79 = arith.constant 0 : i32
      %dma_wait3A_80 = tpu.memref_slice %arg4[%dma_wait3A_79] : memref<6400000xf32, #tpu.memory_space<hbm>> -> memref<2000xf32, #tpu.memory_space<hbm>>
      %dma_wait3A_81 = arith.constant 0 : i32
      %dma_wait3A_82 = tpu.memref_slice %arg4[%dma_wait3A_81] : memref<6400000xf32, #tpu.memory_space<hbm>> -> memref<2000xf32, #tpu.memory_space<hbm>>
      tpu.wait_dma2 semaphore(%arg20 : memref<!tpu.dma_semaphore, #tpu.memory_space<semaphore_mem>>) src(%dma_wait3A_82 : memref<2000xf32, #tpu.memory_space<hbm>>) dst(%arg16 : memref<2000xf32, #tpu.memory_space<vmem>>)
      %ge3A_83 = arith.constant 2 : i32
      %ge3A_84 = arith.cmpi sge, %add3A_67, %ge3A_83 : i32
      %convert_element_type3A_85 = arith.extui %ge3A_84 : i1 to i32
      %cond3A_86 = arith.constant 0 : i32
      %cond3A_87 = arith.cmpi ne, %convert_element_type3A_85, %cond3A_86 : i32
      scf.if %cond3A_87 {
        %dma_wait3A_100 = arith.constant 0 : i32
        %dma_wait3A_101 = tpu.memref_slice %arg7[%dma_wait3A_100] : memref<6400000xf32, #tpu.memory_space<hbm>> -> memref<2000xf32, #tpu.memory_space<hbm>>
        %dma_wait3A_102 = arith.constant 0 : i32
        %dma_wait3A_103 = tpu.memref_slice %arg7[%dma_wait3A_102] : memref<6400000xf32, #tpu.memory_space<hbm>> -> memref<2000xf32, #tpu.memory_space<hbm>>
        tpu.wait_dma2 semaphore(%arg22 : memref<!tpu.dma_semaphore, #tpu.memory_space<semaphore_mem>>) src(%arg18 : memref<2000xf32, #tpu.memory_space<vmem>>) dst(%dma_wait3A_103 : memref<2000xf32, #tpu.memory_space<hbm>>)
      } else {
      }
      %parallel_loop3A_88 = arith.constant 0 : i32
      %parallel_loop3A_89 = arith.constant 125 : i32
      %parallel_loop3A_90 = arith.constant 1 : i32
      scf.for %parallel_loop3A_100 = %parallel_loop3A_88 to %parallel_loop3A_89 step %parallel_loop3A_90  : i32 {
        %parallel_loop3A_101 = arith.constant 16 : i32
        %parallel_loop3A_102 = arith.muli %parallel_loop3A_100, %parallel_loop3A_101 : i32
        %parallel_loop3A_103 = arith.index_cast %parallel_loop3A_102 : i32 to index
        %parallel_loop3A_104 = tpu.vector_load %arg12[%parallel_loop3A_103] {strides = array<i32>} : memref<2000xi32, #tpu.memory_space<vmem>>, vector<16xi32>,
        %parallel_loop3A_105 = arith.index_cast %parallel_loop3A_102 : i32 to index
        %parallel_loop3A_106 = tpu.vector_load %arg14[%parallel_loop3A_105] {strides = array<i32>} : memref<2000xi32, #tpu.memory_space<vmem>>, vector<16xi32>,
        %parallel_loop3A_107 = tpu.vector_load_idx %arg8[%parallel_loop3A_104] : memref<100000xi32, #tpu.memory_space<vmem>>[vector<16xi32>], vector<16xi32>,
        %parallel_loop3A_108 = tpu.vector_load_idx %arg8[%parallel_loop3A_106] : memref<100000xi32, #tpu.memory_space<vmem>>[vector<16xi32>], vector<16xi32>,
        %parallel_loop3A_109 = arith.constant 64 : i32
        %parallel_loop3A_110 = vector.broadcast %parallel_loop3A_109 : i32 to vector<16xi32>
        %parallel_loop3A_111 = arith.muli %parallel_loop3A_107, %parallel_loop3A_110 : vector<16xi32>
        %parallel_loop3A_112 = arith.addi %parallel_loop3A_111, %parallel_loop3A_108 : vector<16xi32>
        %parallel_loop3A_113 = tpu.vector_load_idx %arg9[%parallel_loop3A_112] : memref<4096xf32, #tpu.memory_space<vmem>>[vector<16xi32>], vector<16xf32>,
        %parallel_loop3A_114 = tpu.vector_load_idx %arg10[%parallel_loop3A_112] : memref<4096xf32, #tpu.memory_space<vmem>>[vector<16xi32>], vector<16xf32>,
        %parallel_loop3A_115 = arith.index_cast %parallel_loop3A_102 : i32 to index
        %parallel_loop3A_116 = tpu.vector_load %arg16[%parallel_loop3A_115] {strides = array<i32>} : memref<2000xf32, #tpu.memory_space<vmem>>, vector<16xf32>,
        %parallel_loop3A_117 = arith.mulf %parallel_loop3A_113, %parallel_loop3A_116 : vector<16xf32>
        %parallel_loop3A_118 = arith.addf %parallel_loop3A_117, %parallel_loop3A_114 : vector<16xf32>
        %parallel_loop3A_119 = arith.index_cast %parallel_loop3A_102 : i32 to index
        %parallel_loop3A_120 = tpu.vector_load %arg18[%parallel_loop3A_119] {strides = array<i32>} : memref<2000xf32, #tpu.memory_space<vmem>>, vector<16xf32>,
        tpu.vector_store %arg18[%parallel_loop3A_119], %parallel_loop3A_118 {strides = array<i32>} : memref<2000xf32, #tpu.memory_space<vmem>>, vector<16xf32>,
      } {sc.loop_unroll_factor = 5 : i64, sc.parallel_access}
      %dma_start3A_91 = tpu.memref_slice %arg7[%add3A_70] : memref<6400000xf32, #tpu.memory_space<hbm>> -> memref<2000xf32, #tpu.memory_space<hbm>>
      %dma_start3A_92 = tpu.memref_slice %arg7[%add3A_70] : memref<6400000xf32, #tpu.memory_space<hbm>> -> memref<2000xf32, #tpu.memory_space<hbm>>
      tpu.enqueue_dma source(%arg18 : memref<2000xf32, #tpu.memory_space<vmem>>) target(%dma_start3A_92 : memref<2000xf32, #tpu.memory_space<hbm>>) target_semaphore(%arg22 : memref<!tpu.dma_semaphore, #tpu.memory_space<semaphore_mem>>)
      %add3A_93 = arith.constant 2 : i32
      %add3A_94 = arith.addi %add3A_67, %add3A_93 : i32
      %lt3A_95 = arith.constant 100 : i32
      %lt3A_96 = arith.cmpi slt, %add3A_94, %lt3A_95 : i32
      %convert_element_type3A_97 = arith.extui %lt3A_96 : i1 to i32
      %cond3A_98 = arith.constant 0 : i32
      %cond3A_99 = arith.cmpi ne, %convert_element_type3A_97, %cond3A_98 : i32
      scf.if %cond3A_99 {
        %add3A_100 = arith.constant 4000 : i32
        %add3A_101 = arith.addi %add3A_70, %add3A_100 : i32
        %dma_start3A_102 = tpu.memref_slice %arg2[%add3A_101] : memref<12800000xi32, #tpu.memory_space<hbm>> -> memref<2000xi32, #tpu.memory_space<hbm>>
        %dma_start3A_103 = tpu.memref_slice %arg2[%add3A_101] : memref<12800000xi32, #tpu.memory_space<hbm>> -> memref<2000xi32, #tpu.memory_space<hbm>>
        tpu.enqueue_dma source(%dma_start3A_103 : memref<2000xi32, #tpu.memory_space<hbm>>) target(%arg12 : memref<2000xi32, #tpu.memory_space<vmem>>) target_semaphore(%arg20 : memref<!tpu.dma_semaphore, #tpu.memory_space<semaphore_mem>>)
        %add3A_104 = arith.constant 6400000 : i32
        %add3A_105 = arith.addi %add3A_104, %add3A_101 : i32
        %dma_start3A_106 = tpu.memref_slice %arg2[%add3A_105] : memref<12800000xi32, #tpu.memory_space<hbm>> -> memref<2000xi32, #tpu.memory_space<hbm>>
        %dma_start3A_107 = tpu.memref_slice %arg2[%add3A_105] : memref<12800000xi32, #tpu.memory_space<hbm>> -> memref<2000xi32, #tpu.memory_space<hbm>>
        tpu.enqueue_dma source(%dma_start3A_107 : memref<2000xi32, #tpu.memory_space<hbm>>) target(%arg14 : memref<2000xi32, #tpu.memory_space<vmem>>) target_semaphore(%arg20 : memref<!tpu.dma_semaphore, #tpu.memory_space<semaphore_mem>>)
        %dma_start3A_108 = tpu.memref_slice %arg4[%add3A_101] : memref<6400000xf32, #tpu.memory_space<hbm>> -> memref<2000xf32, #tpu.memory_space<hbm>>
        %dma_start3A_109 = tpu.memref_slice %arg4[%add3A_101] : memref<6400000xf32, #tpu.memory_space<hbm>> -> memref<2000xf32, #tpu.memory_space<hbm>>
        tpu.enqueue_dma source(%dma_start3A_109 : memref<2000xf32, #tpu.memory_space<hbm>>) target(%arg16 : memref<2000xf32, #tpu.memory_space<vmem>>) target_semaphore(%arg20 : memref<!tpu.dma_semaphore, #tpu.memory_space<semaphore_mem>>)
      } else {
      }
    }
    %scan3A_24 = arith.constant 50 : i32
    %dma_wait3A = arith.constant 0 : i32
    %dma_wait3A_25 = tpu.memref_slice %arg7[%dma_wait3A] : memref<6400000xf32, #tpu.memory_space<hbm>> -> memref<2000xf32, #tpu.memory_space<hbm>>
    %dma_wait3A_26 = arith.constant 0 : i32
    %dma_wait3A_27 = tpu.memref_slice %arg7[%dma_wait3A_26] : memref<6400000xf32, #tpu.memory_space<hbm>> -> memref<2000xf32, #tpu.memory_space<hbm>>
    tpu.wait_dma2 semaphore(%arg21 : memref<!tpu.dma_semaphore, #tpu.memory_space<semaphore_mem>>) src(%arg17 : memref<2000xf32, #tpu.memory_space<vmem>>) dst(%dma_wait3A_27 : memref<2000xf32, #tpu.memory_space<hbm>>)
    %dma_wait3A_28 = arith.constant 0 : i32
    %dma_wait3A_29 = tpu.memref_slice %arg7[%dma_wait3A_28] : memref<6400000xf32, #tpu.memory_space<hbm>> -> memref<2000xf32, #tpu.memory_space<hbm>>
    %dma_wait3A_30 = arith.constant 0 : i32
    %dma_wait3A_31 = tpu.memref_slice %arg7[%dma_wait3A_30] : memref<6400000xf32, #tpu.memory_space<hbm>> -> memref<2000xf32, #tpu.memory_space<hbm>>
    tpu.wait_dma2 semaphore(%arg22 : memref<!tpu.dma_semaphore, #tpu.memory_space<semaphore_mem>>) src(%arg18 : memref<2000xf32, #tpu.memory_space<vmem>>) dst(%dma_wait3A_31 : memref<2000xf32, #tpu.memory_space<hbm>>)
    return
  }
}

</mosaic_0001>

<sc_bundles>
// kernel: kernel.3.cloned.1.call-start
scs
__scs_entry_jumppad:
0x0: {  	(pc) =	sbr.rel $0x88, $3  }
0x1: {  	(tag) =	ssettag $0x0;
	lr =	simm.s32 $0x1  }
0x2: {  	[smem:$0x3F9C] =	sst lr;
	_ =	strace $0xD0000000  }
0x3: {  	_ = 	snop  }
0x4: {  	_ = 	snop  }
0x5: {  	_ = 	snop  }
0x6: {  	_ = 	snop  }
0x7: {  	_ = 	snop  }
__scs_overlays_trampoline_lowered:
0x8: {  	[smem:$0x3FAB] =	sst s0  }
0x9: {  	[smem:$0x3FAC] =	sst s1  }
0xa: {  	[smem:$0x3FAD] =	sst s2  }
0xb: {  	[smem:$0x3FAE] =	sst s3  }
0xc: {  	[smem:$0x3FAF] =	sst s4  }
0xd: {  	[smem:$0x3FB0] =	sst s5  }
0xe: {  	[smem:$0x3FB1] =	sst s6  }
0xf: {  	[smem:$0x3FB2] =	sst s7  }
0x10: {  	[smem:$0x3FB3] =	sst s8  }
0x11: {  	[smem:$0x3FB4] =	sst s9;
	s0 =	simm.s32 @!p0 $0x0  }
0x12: {  	s1 =	sld [smem:$0x3F9A];
	s0 =	simm.s32 @p0 $0x1  }
0x13: {  	[smem:$0x3FB5] =	sst s0;
	s0 =	simm.s32 @!p1 $0x0  }
0x14: {  	s2 =	sld [smem:$0x3F99];
	s0 =	simm.s32 @p1 $0x1  }
0x15: {  	[smem:$0x3FB6] =	sst s0;
	s0 =	simm.s32 @!p2 $0x0  }
0x16: {  	s3 =	sld [smem:$0x3FDB];
	s0 =	simm.s32 @p2 $0x1  }
0x17: {  	s4 =	simm.s32 $0x1BF5;
	[smem:$0x3FB8] =	sst s0  }
0x18: {  	s0 =	sld [smem:$0x3F9B];
	_ =	swait.ge [sflag:s4], $0x0  }
0x19: {  	s7 =	sld [smem:$0x3F9C]  }
0x1a: {  	s8 =	sadd.s32 $0xFFFFE003, lr  }
0x1b: {  	s9 =	sadd.s32 $0xFFFFFEF7, lr;
	s5 =	simm.s32 $0xFFFFFFFF;
	p2 =	slt.u32 s8, $0xFFFFF086  }
0x1c: {  	p1 =	slt.u32 s9, $0xF7A;
	s5 =	simm.s32 @!p2 $0x0  }
0x1d: {  	s5 =	simm.s32 @p1 $0x1;
	p0 =	seq.s32 s7, s2  }
0x1e: {  	s7 =	smul.u32 @!p0 $0xF7A, s2;
	p2 =	seq.s32 @!p0 s5, $0x0  }
0x1f: {  	s9 =	smul.u32 $0xF7A, s1;
	s8 =	simm.s32 @!p0 $0x1BF5;
	p2 =	por !p2, p0  }
0x20: {  	[sflag:s8] =	ssyncset.s32 @!p0 $0xFFFFF086;
	s6 =	sadd.s32 @!p0 s3, s7;
	s7 =	simm.s32 @!p0 $0x108  }
0x21: {  	s3 =	sadd.s32 s3, s9;
	s6 =	sadd.s32 @!p0 $0x88, s6;
	s7 =	simm.s32 @p2 $0x1082  }
0x22: {  	[simem:s7], [sflag:s8] =	dma.local @!p0 [hbm:s6], $0xF7A  }
0x23: {  	s9 =	sor.u32 $0xD0000000, s2;
	s6 =	simm.s32 $0x108;
	_ =	swait.ge @!p0 [sflag:s8], $0x0  }
0x24: {  	s3 =	sadd.s32 $0x88, s3;
	s6 =	simm.s32 @!p1 $0x1082;
	[sflag:s4] =	ssyncset.s32 $0xFFFFF086  }
0x25: {  	[simem:s6], [sflag:s4] =	dma.local [hbm:s3], $0xF7A  }
0x26: {  	[smem:$0x3F9C] =	sst s1;
	(tag) =	ssettag s2;
	_ =	strace s9  }
0x27: {  	s1 =	sld [smem:$0x3FAC]  }
0x28: {  	s2 =	sld [smem:$0x3FAD]  }
0x29: {  	s4 =	sld [smem:$0x3FAF]  }
0x2a: {  	p0 =	seq.s32 s5, $0x0;
	s5 =	sld [smem:$0x3FB0]  }
0x2b: {  	s6 =	sld [smem:$0x3FB1]  }
0x2c: {  	s7 =	sld [smem:$0x3FB2]  }
0x2d: {  	s3 =	simm.s32 $0x108;
	s8 =	sld [smem:$0x3FB3]  }
0x2e: {  	s3 =	simm.s32 @!p0 $0x1082;
	s9 =	sld [smem:$0x3FB4]  }
0x2f: {  	lr =	sadd.s32 s0, s3;
	s0 =	sld [smem:$0x3FAB]  }
0x30: {  	s3 =	sld [smem:$0x3FAE]  }
0x31: {  	[smem:$0x3FB7] =	sst s10  }
0x32: {  	s10 =	sld [smem:$0x3FB5];
	_ =	sdelay $0x3  }
0x33: {  	p0 =	seq.s32 s10, $0x1;
	s10 =	sld [smem:$0x3FB7];
	_ =	sdelay $0x3  }
0x34: {  	[smem:$0x3FB7] =	sst s10  }
0x35: {  	s10 =	sld [smem:$0x3FB6];
	_ =	sdelay $0x3  }
0x36: {  	p1 =	seq.s32 s10, $0x1;
	s10 =	sld [smem:$0x3FB7];
	_ =	sdelay $0x3  }
0x37: {  	[smem:$0x3FB7] =	sst s10  }
0x38: {  	s10 =	sld [smem:$0x3FB8]  }
0x39: {  	_ = 	snop;
	(pc) =	sbr.ind lr, $3  }
0x3a: {  	_ = 	snop  }
0x3b: {  	_ = 	snop  }
0x3c: {  	p2 =	seq.s32 s10, $0x1;
	s10 =	sld [smem:$0x3FB7]  }
0x3d: {  	_ =	shalt  }
0x3e: {  	_ =	shalt  }
0x3f: {  	_ =	shalt  }
0x40: {  	_ =	shalt  }
0x41: {  	_ =	shalt  }
0x42: {  	_ =	shalt  }
0x43: {  	_ =	shalt  }
0x44: {  	_ =	shalt  }
0x45: {  	_ =	shalt  }
0x46: {  	_ =	shalt  }
0x47: {  	_ =	shalt  }
0x48: {  	_ =	shalt  }
0x49: {  	_ =	shalt  }
0x4a: {  	_ =	shalt  }
0x4b: {  	_ =	shalt  }
0x4c: {  	_ =	shalt  }
0x4d: {  	_ =	shalt  }
0x4e: {  	_ =	shalt  }
0x4f: {  	_ =	shalt  }
0x50: {  	_ =	shalt  }
0x51: {  	_ =	shalt  }
0x52: {  	_ =	shalt  }
0x53: {  	_ =	shalt  }
0x54: {  	_ =	shalt  }
0x55: {  	_ =	shalt  }
0x56: {  	_ =	shalt  }
0x57: {  	_ =	shalt  }
0x58: {  	_ =	shalt  }
0x59: {  	_ =	shalt  }
0x5a: {  	_ =	shalt  }
0x5b: {  	_ =	shalt  }
0x5c: {  	_ =	shalt  }
0x5d: {  	_ =	shalt  }
0x5e: {  	_ =	shalt  }
0x5f: {  	_ =	shalt  }
0x60: {  	_ =	shalt  }
0x61: {  	_ =	shalt  }
0x62: {  	_ =	shalt  }
0x63: {  	_ =	shalt  }
0x64: {  	_ =	shalt  }
0x65: {  	_ =	shalt  }
0x66: {  	_ =	shalt  }
0x67: {  	_ =	shalt  }
0x68: {  	_ =	shalt  }
0x69: {  	_ =	shalt  }
0x6a: {  	_ =	shalt  }
0x6b: {  	_ =	shalt  }
0x6c: {  	_ =	shalt  }
0x6d: {  	_ =	shalt  }
0x6e: {  	_ =	shalt  }
0x6f: {  	_ =	shalt  }
0x70: {  	_ =	shalt  }
0x71: {  	_ =	shalt  }
0x72: {  	_ =	shalt  }
0x73: {  	_ =	shalt  }
0x74: {  	_ =	shalt  }
0x75: {  	_ =	shalt  }
0x76: {  	_ =	shalt  }
0x77: {  	_ =	shalt  }
0x78: {  	_ =	shalt  }
0x79: {  	_ =	shalt  }
0x7a: {  	_ =	shalt  }
0x7b: {  	_ =	shalt  }
0x7c: {  	_ =	shalt  }
0x7d: {  	_ =	shalt  }
0x7e: {  	_ =	shalt  }
0x7f: {  	_ =	shalt  }
0x80: {  	_ =	shalt  }
0x81: {  	_ =	shalt  }
0x82: {  	_ =	shalt  }
0x83: {  	_ =	shalt  }
0x84: {  	_ =	shalt  }
0x85: {  	_ =	shalt  }
0x86: {  	_ =	shalt  }
0x87: {  	_ =	shalt  }
.Lfunc_end0:
.L_simem_size_0:
called_computation.1_lowered:
.L_overlay_start_0:
0x88: {  	s2 =	sld [smem:$0x3FD9]  }
0x89: {  	s3 =	sld [smem:$0x3FFE];
	_ =	sdelay $0x1  }
0x8a: {  	s1 =	srdreg.scid  }
0x8b: {  	s0 =	sand.u32 $0x1, s1  }
0x8c: {  	s17 =	sshll.u32 s0, $0xA;
	s2 =	sadd.s32 s3, s2  }
0x8d: {  	s2 =	sadd.s32 s2, s17  }
0x8e: {  	[smem:$0x3FC3] =	sst s2  }
0x8f: {  	_ = 	snop  }
0x90: {  	s2 =	sld [smem:$0x3FC8]  }
0x91: {  	s18 =	sld [smem:$0x3FC7]  }
0x92: {  	s4 =	sld [smem:$0x3FD0];
	(tm) =	ssettm $0x1  }
0x93: {  	s5 =	sld [smem:$0x3FFB];
	_ =	sdelay $0x3  }
0x94: {  	_ =	strace s5  }
0x95: {  	s5 =	sld [smem:$0x3FFC];
	_ =	sdelay $0x3  }
0x96: {  	_ =	strace s5  }
0x97: {  	s5 =	sld [smem:$0x3FFD];
	_ =	sdelay $0x3  }
0x98: {  	_ =	strace s5  }
0x99: {  	_ =	strace $0x8FFFFFFF  }
0x9a: {  	s19 =	sld [smem:$0x3FDB];
	_ =	sdelay $0x1  }
0x9b: {  	s6 =	simm.s32 $_scs_section_size  }
0x9c: {  	s7 =	simm.s32 $_size__tile_overlayer_lowered;
	s8 =	simm.s32 $_tile_overlayer_lowered  }
0x9d: {  	s22 =	simm.s32 $0x1BFF;
	s21 =	sshll.u32 s8, $0x1;
	s5 =	sadd.s32 s6, s19  }
0x9e: {  	s9 =	simm.s32 $0x0;
	s20 =	sshll.u32 s7, $0x1;
	s7 =	sadd.s32 s21, s5  }
0x9f: {  	[timem:s9], [sflag:s22] =	dma.local [hbm:s7], s20  }
0xa0: {  	_ =	swait.ge [sflag:s22], s20  }
0xa1: {  	s6 =	ssub.s32 $0x0, s20;
	[sflag:s22] =	ssyncset.done $0x0  }
0xa2: {  	[sflag:s22] =	ssyncadd.s32 s6;
	_ =	sdelay $0x1  }
0xa3: {  	s23 =	simm.s32 $0x1B8B  }
0xa4: {  	_ =	swait.ge [sflag:s23], $0x1  }
0xa5: {  	[sflag:s23] =	ssyncset.done $0x0  }
0xa6: {  	s25 =	simm.s32 $0x1B8E;
	s24 =	sld [smem:$0x3FFE];
	[sflag:s23] =	ssyncadd.s32 $0xFFFFFFFF  }
0xa7: {  	s26 =	simm.s32 $execute0_lowered;
	[smem:$0x3FD2] =	sst s25  }
0xa8: {  	s7 =	sshll.u32 s26, $0x1;
	_ =	strace $0x80000049;
	[dreg:$0x1] =	wrdreg $0xFFFFFFFF  }
0xa9: {  	s28 =	simm.s32 $_size_execute0_lowered;
	s5 =	sadd.s32 s5, s7;
	[dreg:$0x0] =	wrdreg $0x0  }
0xaa: {  	s7 =	sshll.u32 s28, $0x1;
	[dreg:$0x2] =	wrdreg s5  }
0xab: {  	[dreg:$0x3] =	wrdreg s7  }
0xac: {  	[dreg:$0x4] =	wrdreg $0xC0  }
0xad: {  	_ =	task [dreg:s9], $0x5FFFF  }
0xae: {  	[dreg:$0x1] =	wrdreg $0xFFFFFFFF  }
0xaf: {  	[dreg:$0x0] =	wrdreg $0x60  }
0xb0: {  	[dreg:$0x2] =	wrdreg s24  }
0xb1: {  	[dreg:$0x3] =	wrdreg s2  }
0xb2: {  	[dreg:$0x4] =	wrdreg s18  }
0xb3: {  	[dreg:$0x5] =	wrdreg s4  }
0xb4: {  	[dreg:$0x6] =	wrdreg $0x9  }
0xb5: {  	_ =	task.clear_ibuf [dreg:s9], $0x7FFFF;
	_ =	strace $0x90000049  }
0xb6: {  	s29 =	simm.s32 $0x9;
	_ =	strace $0x8000004B  }
0xb7: {  	_ =	swait.ge [sflag:s29], $0x1  }
0xb8: {  	[sflag:s29] =	ssyncadd.s32 $0xFFFFFFFF  }
0xb9: {  	_ =	strace $0x9000004B  }
0xba: {  	_ =	sfence  }
0xbb: {  	s30 =	sld [smem:$0x0];
	_ =	sdelay $0x2  }
0xbc: {  	s31 =	sshll.u32 s1, $0xD;
	s1 =	sshrl.u32 s1, $0x2  }
0xbd: {  	s3 =	sand.u32 $0x4000, s31;
	s1 =	sadd.s32 s1, s30  }
0xbe: {  	s0 =	sor.u32 s3, s0;
	s1 =	sshll.u32 s1, $0x11  }
0xbf: {  	s0 =	sor.u32 s1, s0  }
0xc0: {  	s0 =	sadd.s32 $0x8F2B, s0  }
0xc1: {  	[sflag:s0] =	ssyncadd.remote.s32 $0x1  }
0xc2: {  	_ =	sfence.sel $0xFFFF  }
0xc3: {  	[dreg:$0x0] =	wrdreg $0xFFFFFFFF;
	(pc) =	sbr.abs _section_cstart, $3  }
0xc4: {  	[dreg:$0x1] =	wrdreg $0xFFFFFFFF  }
0xc5: {  	_ =	task.clear_ibuf [dreg:s9], $0x2FFFF;
	_ =	strace $0x9FFFFFFF  }
0xc6: {  	(tm) =	ssettm $0x7FFFFFFF  }
0xc7: {  	_ =	shalt  }
tec
execute0_lowered:
.L_overlay_start_1:
0x0: {  	(tag) =	ssettag $0x1  }
0x1: {  	s0 =	rddreg [dreg:$0x0]  }
0x2: {  	s3 =	rddreg [dreg:$0x2]  }
0x3: {  	s4 =	rddreg [dreg:$0x3]  }
0x4: {  	s1 =	srdreg.scid;
	s2 =	stileid.u32  }
0x5: {  	s5 =	simm.s32 $0x0;
	s18 =	simm.s32 $0x5;
	s19 =	simm.s32 $0x18700  }
0x6: {  	s28 =	simm.s32 $0x1;
	s29 =	simm.s32 $0x1D700;
	s30 =	simm.s32 $0x2  }
0x7: {  	s31 =	simm.s32 $0x1DF00;
	s1 =	sand.u32 $0x1, s1;
	s2 =	sshll.u32 s2, $0x1  }
0x8: {  	[smem:$0x7FF] =	sst s5;
	s7 =	sadd.s32 $0xC00, s0;
	s20 =	sadd.s32 $0x187600, s0  }
0x9: {  	s0 =	sadd.s32 $0x187800, s0;
	s2 =	sor.u32 s1, s2;
	_ =	strace $0x8000004A  }
0xa: {  	[dreg:$0x5] =	wrdreg s20;
	s21 =	ssub.s32 $0x2, s1;
	s6 =	smul.u32 $0x30D40, s2  }
0xb: {  	[dreg:$0x6] =	wrdreg s0;
	s20 =	simm.s32 $0x19700;
	s23 =	sshrl.u32 s21, $0x1  }
0xc: {  	s2 =	simm.s32 $0x4;
	s0 =	ssub.s32 s21, s23;
	s22 =	sshrl.u32 s6, $0x3  }
0xd: {  	s11 =	sadd.s32 $0x7D0, s6;
	s17 =	smax.u32 s0, $0x1;
	s0 =	simm.s32 $0x3  }
.Ltmp0:
0xe: {  	s10 =	sadd.s32 s7, s22;
	s1 =	sadd.s32 s3, s22;
	(pc) =	sbr.rel .LBB2_1-.Ltmp0, $4  }
0xf: {  	s25 =	sshrl.u32 s11, $0x3;
	s24 =	sadd.s32 $0xC3500, s10;
	[dreg:$0x8] =	wrdreg s1  }
0x10: {  	s26 =	sadd.s32 s7, s25;
	s15 =	sadd.s32 $0xC35FA, s10;
	s16 =	sadd.s32 s3, s25  }
0x11: {  	s25 =	simm.s32 $0x1BF00;
	s1 =	simm.s32 $0x0;
	[dreg:$0x7] =	wrdreg s24  }
0x12: {  	[dreg:$0x9] =	wrdreg s26;
	s24 =	simm.s32 $0x1AF00;
	s26 =	simm.s32 $0x1CF00  }
.LBB2_8:
0x13: {  	s1 =	sadd.s32 $0x1, s1  }
0x14: {  	_ =	swait.ge [sflag:s0], $0x7D0;
	p0 =	sne.s32 s1, s17  }
.Ltmp1:
0x15: {  	[sflag:s0] =	ssyncset.done $0x0;
	(pc) =	sbr.rel @!p0 .LBB2_9-.Ltmp1, $4  }
0x16: {  	[sflag:s0] =	ssyncadd.s32 $0xFFFFF830  }
0x17: {  	_ =	swait.ge [sflag:s2], $0x7D0  }
0x18: {  	[sflag:s2] =	ssyncset.done $0x0  }
0x19: {  	[sflag:s2] =	ssyncadd.s32 $0xFFFFF830  }
.LBB2_1:
0x1a: {  	s8 =	rddreg [dreg:$0x1]  }
0x1b: {  	[tilespmem:s5], [sflag:$0x5] =	stream.linear.gather [hbm4b:s8+s5], $0x18700, $0x38;
	[tilespmem:$0x1E700] =	vst v63  }
0x1c: {  	_ =	swait.ge [sflag:s18], $0x18700  }
0x1d: {  	[sflag:s18] =	ssyncset.done $0x0  }
0x1e: {  	s9 =	rddreg [dreg:$0x5];
	[sflag:s18] =	ssyncadd.s32 $0xFFFE7900  }
0x1f: {  	[tilespmem:s19], [sflag:$0x5] =	stream.linear.gather [hbm4b:s9+s5], $0x1000, $0x38;
	[tilespmem:$0x1E700] =	vst v63  }
0x20: {  	_ =	swait.ge [sflag:s18], $0x1000  }
0x21: {  	[sflag:s18] =	ssyncset.done $0x0  }
0x22: {  	s12 =	rddreg [dreg:$0x6];
	[sflag:s18] =	ssyncadd.s32 $0xFFFFF000  }
0x23: {  	[tilespmem:s20], [sflag:$0x5] =	stream.linear.gather [hbm4b:s12+s5], $0x1000, $0x38;
	[tilespmem:$0x1E700] =	vst v63  }
0x24: {  	_ =	swait.ge [sflag:s18], $0x1000  }
0x25: {  	[sflag:s18] =	ssyncset.done $0x0  }
0x26: {  	s13 =	simm.s32 $0x1A700;
	[sflag:s18] =	ssyncadd.s32 $0xFFFFF000  }
0x27: {  	[tilespmem:s13], [sflag:$0x1] =	stream.linear.gather [hbm4b:s10+s5], $0x7D0, $0x38;
	[tilespmem:$0x1E700] =	vst v63  }
0x28: {  	s9 =	simm.s32 $0x1B700;
	s14 =	rddreg [dreg:$0x7]  }
0x29: {  	[tilespmem:s9], [sflag:$0x1] =	stream.linear.gather [hbm4b:s14+s5], $0x7D0, $0x38;
	[tilespmem:$0x1E700] =	vst v63  }
0x2a: {  	s22 =	simm.s32 $0x1C700;
	s21 =	rddreg [dreg:$0x8]  }
0x2b: {  	[tilespmem:s22], [sflag:$0x1] =	stream.linear.gather [hbm4b:s21+s5], $0x7D0, $0x38;
	[tilespmem:$0x1E700] =	vst v63  }
0x2c: {  	s23 =	rddreg [dreg:$0x9]  }
0x2d: {  	[tilespmem:s24], [sflag:$0x2] =	stream.linear.gather [hbm4b:s23+s5], $0x7D0, $0x38;
	[tilespmem:$0x1E700] =	vst v63  }
0x2e: {  	_ = 	snop  }
0x2f: {  	[tilespmem:s25], [sflag:$0x2] =	stream.linear.gather [hbm4b:s15+s5], $0x7D0, $0x38;
	[tilespmem:$0x1E700] =	vst v63  }
0x30: {  	s21 =	simm.s32 $0x0  }
0x31: {  	[tilespmem:s26], [sflag:$0x2] =	stream.linear.gather [hbm4b:s16+s5], $0x7D0, $0x38;
	[tilespmem:$0x1E700] =	vst v63  }
.LBB2_2:
0x32: {  	_ =	swait.ge [sflag:s28], $0x7D0  }
0x33: {  	[sflag:s28] =	ssyncset.done $0x0  }
0x34: {  	[sflag:s28] =	ssyncadd.s32 $0xFFFFF830  }
0x35: {  	_ =	swait.ge [sflag:s28], $0x7D0  }
0x36: {  	[sflag:s28] =	ssyncset.done $0x0  }
0x37: {  	[sflag:s28] =	ssyncadd.s32 $0xFFFFF830  }
0x38: {  	_ =	swait.ge [sflag:s28], $0x7D0  }
0x39: {  	p0 =	seq.s32 s21, $0x0;
	[sflag:s28] =	ssyncset.done $0x0  }
0x3a: {  	s8 =	simm.s32 @!p0 $0x3;
	[sflag:s28] =	ssyncadd.s32 $0xFFFFF830  }
0x3b: {  	_ =	swait.ge @!p0 [sflag:s8], $0x7D0  }
0x3c: {  	[sflag:s8] =	ssyncset.done @!p0 $0x0  }
0x3d: {  	s22 =	simm.s32 $0x1A720;
	[sflag:s8] =	ssyncadd.s32 @!p0 $0xFFFFF830  }
0x3e: {  	s23 =	simm.s32 $0x1B720;
	v0 =	vld [tilespmem:s22+$0x20]  }
0x3f: {  	v1 =	vld [tilespmem:s23+$0x20]  }
0x40: {  	v2 =	vld [tilespmem:s22+$0xFFFFFFF0]  }
0x41: {  	v3 =	vld [tilespmem:s22+$0x0]  }
0x42: {  	v4 =	vld [tilespmem:s22+$0x10]  }
0x43: {  	v5 =	vld [tilespmem:s22+$0xFFFFFFE0]  }
0x44: {  	v6 =	vld [tilespmem:s23+$0xFFFFFFE0]  }
0x45: {  	v7 =	vld [tilespmem:s23+$0xFFFFFFF0]  }
0x46: {  	v8 =	vld [tilespmem:s23+$0x0]  }
0x47: {  	s8 =	simm.s32 $0x1C720;
	v9 =	vld [tilespmem:s23+$0x10]  }
0x48: {  	v10 =	vld [tilespmem:s8+$0x20]  }
0x49: {  	v0 =	vld.idx.msk [tilespmem:v0+s5+$0x0], $0xffff  }
0x4a: {  	v1 =	vld.idx.msk [tilespmem:v1+s5+$0x0], $0xffff  }
0x4b: {  	v12 =	vld [tilespmem:s8+$0xFFFFFFE0]  }
0x4c: {  	v2 =	vld.idx.msk [tilespmem:v2+s5+$0x0], $0xffff  }
0x4d: {  	v5 =	vld.idx.msk [tilespmem:v5+s5+$0x0], $0xffff  }
0x4e: {  	v3 =	vld.idx.msk [tilespmem:v3+s5+$0x0], $0xffff;
	v0 =	vshll.u32 v0, $0x6  }
0x4f: {  	v0 =	vadd.s32 v1, v0;
	v1 =	vld.idx.msk [tilespmem:v6+s5+$0x0], $0xffff  }
0x50: {  	v6 =	vld.idx.msk [tilespmem:v7+s5+$0x0], $0xffff  }
0x51: {  	v4 =	vld.idx.msk [tilespmem:v4+s5+$0x0], $0xffff  }
0x52: {  	v7 =	vld.idx.msk [tilespmem:v8+s5+$0x0], $0xffff  }
0x53: {  	v5 =	vshll.u32 v5, $0x6;
	v8 =	vld.idx.msk [tilespmem:v9+s5+$0x0], $0xffff  }
0x54: {  	v2 =	vshll.u32 v2, $0x6;
	v9 =	vld.idx.msk [tilespmem:v0+s19+$0x0], $0xffff;
	v5 =	vadd.s32 v1, v5  }
0x55: {  	v11 =	vld.idx.msk [tilespmem:v0+s20+$0x0], $0xffff;
	v0 =	vshll.u32 v3, $0x6;
	v3 =	vadd.s32 v6, v2  }
0x56: {  	v13 =	vld [tilespmem:s8+$0xFFFFFFF0]  }
0x57: {  	v2 =	vshll.u32 v4, $0x6;
	v1 =	vld [tilespmem:s8+$0x0];
	v7 =	vadd.s32 v7, v0  }
0x58: {  	v14 =	vadd.s32 v8, v2;
	v0 =	vld [tilespmem:s8+$0x10]  }
0x59: {  	v8 =	vld.idx.msk [tilespmem:v5+s19+$0x0], $0xffff  }
0x5a: {  	v15 =	vld.idx.msk [tilespmem:v3+s19+$0x0], $0xffff  }
0x5b: {  	v5 =	vld.idx.msk [tilespmem:v5+s20+$0x0], $0xffff  }
0x5c: {  	v6 =	vmul.f32 v10, v9;
	v4 =	vld.idx.msk [tilespmem:v7+s19+$0x0], $0xffff  }
0x5d: {  	v2 =	vld.idx.msk [tilespmem:v14+s19+$0x0], $0xffff  }
0x5e: {  	s22 =	smul.u32 $0xFA0, s21;
	v9 =	vadd.f32 v6, v11;
	v6 =	vld.idx.msk [tilespmem:v3+s20+$0x0], $0xffff  }
0x5f: {  	s12 =	simm.s32 $0x1D720;
	v3 =	vld.idx.msk [tilespmem:v7+s20+$0x0], $0xffff  }
0x60: {  	s13 =	simm.s32 $0x0;
	s14 =	simm.s32 $0x1A770;
	s9 =	sadd.s32 s6, s22;
	v7 =	vld.idx.msk [tilespmem:v14+s20+$0x0], $0xffff;
	[tilespmem:s12+$0x20] =	vst v9;
	v9 =	vmul.f32 v12, v8;
	v8 =	vmul.f32 v13, v15  }
.LBB2_3:
0x61: {  	v10 =	vld [tilespmem:s14+$0x20];
	s13 =	sadd.s32 $0x5, s13;
	v1 =	vmul.f32 v1, v4;
	s23 =	sadd.s32 $0x50, s23  }
0x62: {  	v0 =	vmul.f32 v0, v2;
	v4 =	vld [tilespmem:s23+$0x20];
	p1 =	slt.u32 s13, $0x78  }
0x63: {  	v5 =	vadd.f32 v9, v5;
	v2 =	vld [tilespmem:s14+$0xFFFFFFF0]  }
0x64: {  	v6 =	vadd.f32 v8, v6;
	v9 =	vld [tilespmem:s14+$0x0]  }
0x65: {  	v1 =	vadd.f32 v1, v3;
	v8 =	vld [tilespmem:s14+$0x10];
	[tilespmem:s12+$0xFFFFFFE0] =	vst v5  }
0x66: {  	v0 =	vadd.f32 v0, v7;
	v3 =	vld [tilespmem:s14+$0xFFFFFFE0];
	[tilespmem:s12+$0xFFFFFFF0] =	vst v6  }
0x67: {  	v5 =	vld [tilespmem:s23+$0xFFFFFFE0];
	[tilespmem:s12+$0x0] =	vst v1  }
0x68: {  	v1 =	vld [tilespmem:s23+$0xFFFFFFF0];
	[tilespmem:s12+$0x10] =	vst v0  }
0x69: {  	v0 =	vld.idx.msk [tilespmem:v10+s5+$0x0], $0xffff  }
0x6a: {  	v4 =	vld.idx.msk [tilespmem:v4+s5+$0x0], $0xffff  }
0x6b: {  	v6 =	vld [tilespmem:s23+$0x0]  }
0x6c: {  	v7 =	vld [tilespmem:s23+$0x10]  }
0x6d: {  	v2 =	vld.idx.msk [tilespmem:v2+s5+$0x0], $0xffff  }
0x6e: {  	v3 =	vld.idx.msk [tilespmem:v3+s5+$0x0], $0xffff  }
0x6f: {  	v0 =	vshll.u32 v0, $0x6;
	v9 =	vld.idx.msk [tilespmem:v9+s5+$0x0], $0xffff  }
0x70: {  	v0 =	vadd.s32 v4, v0;
	v8 =	vld.idx.msk [tilespmem:v8+s5+$0x0], $0xffff  }
0x71: {  	v4 =	vld.idx.msk [tilespmem:v5+s5+$0x0], $0xffff  }
0x72: {  	v1 =	vld.idx.msk [tilespmem:v1+s5+$0x0], $0xffff  }
0x73: {  	v2 =	vshll.u32 v2, $0x6;
	v5 =	vld.idx.msk [tilespmem:v6+s5+$0x0], $0xffff  }
0x74: {  	v3 =	vshll.u32 v3, $0x6;
	v6 =	vld.idx.msk [tilespmem:v7+s5+$0x0], $0xffff  }
0x75: {  	s8 =	sadd.s32 $0x50, s8;
	v7 =	vshll.u32 v9, $0x6;
	v9 =	vld.idx.msk [tilespmem:v0+s19+$0x0], $0xffff  }
0x76: {  	v8 =	vshll.u32 v8, $0x6;
	v10 =	vld [tilespmem:s8+$0x20]  }
0x77: {  	v3 =	vadd.s32 v4, v3;
	v4 =	vld.idx.msk [tilespmem:v0+s20+$0x0], $0xffff  }
0x78: {  	v12 =	vadd.s32 v1, v2;
	v11 =	vld [tilespmem:s8+$0xFFFFFFE0]  }
0x79: {  	v7 =	vadd.s32 v5, v7;
	v13 =	vld [tilespmem:s8+$0xFFFFFFF0]  }
0x7a: {  	v14 =	vadd.s32 v6, v8;
	v1 =	vld [tilespmem:s8+$0x0]  }
0x7b: {  	v0 =	vld [tilespmem:s8+$0x10];
	v2 =	vmul.f32 v10, v9  }
0x7c: {  	v8 =	vld.idx.msk [tilespmem:v3+s19+$0x0], $0xffff  }
0x7d: {  	v10 =	vld.idx.msk [tilespmem:v12+s19+$0x0], $0xffff;
	v5 =	vadd.f32 v2, v4  }
0x7e: {  	s12 =	sadd.s32 $0x50, s12;
	v4 =	vld.idx.msk [tilespmem:v7+s19+$0x0], $0xffff  }
.Ltmp2:
0x7f: {  	v2 =	vld.idx.msk [tilespmem:v14+s19+$0x0], $0xffff;
	[tilespmem:s12+$0x20] =	vst v5;
	(pc) =	sbr.rel @p1 .LBB2_3-.Ltmp2, $4  }
0x80: {  	v5 =	vld.idx.msk [tilespmem:v3+s20+$0x0], $0xffff  }
0x81: {  	v6 =	vld.idx.msk [tilespmem:v12+s20+$0x0], $0xffff  }
0x82: {  	v9 =	vmul.f32 v11, v8;
	v3 =	vld.idx.msk [tilespmem:v7+s20+$0x0], $0xffff  }
0x83: {  	s14 =	sadd.s32 $0x50, s14;
	v8 =	vmul.f32 v13, v10;
	v7 =	vld.idx.msk [tilespmem:v14+s20+$0x0], $0xffff  }
0x84: {  	_ = 	snop  }
0x85: {  	v1 =	vmul.f32 v1, v4;
	v4 =	vadd.f32 v9, v5  }
0x86: {  	v0 =	vmul.f32 v0, v2;
	v2 =	vadd.f32 v8, v6  }
0x87: {  	[tilespmem:s12+$0xFFFFFFE0] =	vst v4;
	v1 =	vadd.f32 v1, v3  }
0x88: {  	[tilespmem:s12+$0xFFFFFFF0] =	vst v2;
	v0 =	vadd.f32 v0, v7  }
0x89: {  	s8 =	sshrl.u32 s9, $0x3;
	[tilespmem:s12+$0x0] =	vst v1  }
0x8a: {  	p1 =	seq.s32 s21, $0x31;
	s8 =	sadd.s32 s4, s8;
	[tilespmem:s12+$0x10] =	vst v0  }
0x8b: {  	[hbm4b:s8+s5] =	stream.linear.scatter [tilespmem:s29], [sflag:$0x3], $0x7D0, $0x38;
	[tilespmem:$0x1E700] =	vst v63  }
0x8c: {  	s8 =	sshrl.u32 @!p1 s9, $0x3  }
0x8d: {  	s13 =	simm.s32 @!p1 $0x0;
	s9 =	sadd.s32 @!p1 $0x1F4, s8  }
0x8e: {  	s14 =	simm.s32 @!p1 $0x1A700;
	s8 =	sadd.s32 @!p1 s7, s8;
	s12 =	sadd.s32 @!p1 s7, s9  }
0x8f: {  	[tilespmem:s14], [sflag:$0x1] =	stream.linear.gather @!p1 [hbm4b:s12+s13], $0x7D0, $0x38;
	[tilespmem:$0x1E700] =	vst v63  }
0x90: {  	s8 =	sadd.s32 @!p1 $0xC36F4, s8;
	s12 =	simm.s32 @!p1 $0x1B700  }
0x91: {  	[tilespmem:s12], [sflag:$0x1] =	stream.linear.gather @!p1 [hbm4b:s8+s13], $0x7D0, $0x38;
	[tilespmem:$0x1E700] =	vst v63  }
0x92: {  	s8 =	sadd.s32 @!p1 s3, s9;
	s9 =	simm.s32 @!p1 $0x1C700  }
0x93: {  	[tilespmem:s9], [sflag:$0x1] =	stream.linear.gather @!p1 [hbm4b:s8+s13], $0x7D0, $0x38;
	[tilespmem:$0x1E700] =	vst v63  }
0x94: {  	_ =	swait.ge [sflag:s30], $0x7D0  }
0x95: {  	[sflag:s30] =	ssyncset.done $0x0  }
0x96: {  	[sflag:s30] =	ssyncadd.s32 $0xFFFFF830  }
0x97: {  	_ =	swait.ge [sflag:s30], $0x7D0  }
0x98: {  	[sflag:s30] =	ssyncset.done $0x0  }
0x99: {  	[sflag:s30] =	ssyncadd.s32 $0xFFFFF830  }
0x9a: {  	_ =	swait.ge [sflag:s30], $0x7D0  }
0x9b: {  	[sflag:s30] =	ssyncset.done $0x0  }
0x9c: {  	s8 =	simm.s32 @!p0 $0x4;
	[sflag:s30] =	ssyncadd.s32 $0xFFFFF830  }
0x9d: {  	_ =	swait.ge @!p0 [sflag:s8], $0x7D0  }
0x9e: {  	[sflag:s8] =	ssyncset.done @!p0 $0x0  }
0x9f: {  	s14 =	simm.s32 $0x1AF20;
	[sflag:s8] =	ssyncadd.s32 @!p0 $0xFFFFF830  }
0xa0: {  	s23 =	simm.s32 $0x1BF20;
	v0 =	vld [tilespmem:s14+$0x20]  }
0xa1: {  	v1 =	vld [tilespmem:s23+$0x20]  }
0xa2: {  	v2 =	vld [tilespmem:s14+$0xFFFFFFF0]  }
0xa3: {  	v3 =	vld [tilespmem:s14+$0x0]  }
0xa4: {  	v4 =	vld [tilespmem:s14+$0x10]  }
0xa5: {  	v5 =	vld [tilespmem:s14+$0xFFFFFFE0]  }
0xa6: {  	v6 =	vld [tilespmem:s23+$0xFFFFFFE0]  }
0xa7: {  	v7 =	vld [tilespmem:s23+$0xFFFFFFF0]  }
0xa8: {  	v8 =	vld [tilespmem:s23+$0x0]  }
0xa9: {  	s8 =	simm.s32 $0x1CF20;
	v9 =	vld [tilespmem:s23+$0x10]  }
0xaa: {  	v10 =	vld [tilespmem:s8+$0x20]  }
0xab: {  	v0 =	vld.idx.msk [tilespmem:v0+s5+$0x0], $0xffff  }
0xac: {  	v1 =	vld.idx.msk [tilespmem:v1+s5+$0x0], $0xffff  }
0xad: {  	v13 =	vld [tilespmem:s8+$0xFFFFFFE0]  }
0xae: {  	v2 =	vld.idx.msk [tilespmem:v2+s5+$0x0], $0xffff  }
0xaf: {  	v5 =	vld.idx.msk [tilespmem:v5+s5+$0x0], $0xffff  }
0xb0: {  	v3 =	vld.idx.msk [tilespmem:v3+s5+$0x0], $0xffff;
	v0 =	vshll.u32 v0, $0x6  }
0xb1: {  	v0 =	vadd.s32 v1, v0;
	v1 =	vld.idx.msk [tilespmem:v6+s5+$0x0], $0xffff  }
0xb2: {  	v6 =	vld.idx.msk [tilespmem:v7+s5+$0x0], $0xffff  }
0xb3: {  	v4 =	vld.idx.msk [tilespmem:v4+s5+$0x0], $0xffff  }
0xb4: {  	v7 =	vld.idx.msk [tilespmem:v8+s5+$0x0], $0xffff  }
0xb5: {  	v5 =	vshll.u32 v5, $0x6;
	v8 =	vld.idx.msk [tilespmem:v9+s5+$0x0], $0xffff  }
0xb6: {  	v2 =	vshll.u32 v2, $0x6;
	v9 =	vld.idx.msk [tilespmem:v0+s19+$0x0], $0xffff;
	v11 =	vadd.s32 v1, v5  }
0xb7: {  	v12 =	vld.idx.msk [tilespmem:v0+s20+$0x0], $0xffff;
	v0 =	vshll.u32 v3, $0x6;
	v3 =	vadd.s32 v6, v2  }
0xb8: {  	v14 =	vld [tilespmem:s8+$0xFFFFFFF0]  }
0xb9: {  	v2 =	vshll.u32 v4, $0x6;
	v1 =	vld [tilespmem:s8+$0x0];
	v7 =	vadd.s32 v7, v0  }
0xba: {  	v15 =	vadd.s32 v8, v2;
	v0 =	vld [tilespmem:s8+$0x10]  }
0xbb: {  	v8 =	vld.idx.msk [tilespmem:v11+s19+$0x0], $0xffff  }
0xbc: {  	v16 =	vld.idx.msk [tilespmem:v3+s19+$0x0], $0xffff  }
0xbd: {  	v6 =	vld.idx.msk [tilespmem:v11+s20+$0x0], $0xffff  }
0xbe: {  	v4 =	vmul.f32 v10, v9;
	v5 =	vld.idx.msk [tilespmem:v7+s19+$0x0], $0xffff  }
0xbf: {  	v2 =	vld.idx.msk [tilespmem:v15+s19+$0x0], $0xffff  }
0xc0: {  	v9 =	vadd.f32 v4, v12;
	v4 =	vld.idx.msk [tilespmem:v3+s20+$0x0], $0xffff  }
0xc1: {  	s9 =	simm.s32 $0x1DF20;
	v3 =	vld.idx.msk [tilespmem:v7+s20+$0x0], $0xffff  }
0xc2: {  	s12 =	sadd.s32 s22, s11;
	s13 =	simm.s32 $0x0;
	s14 =	simm.s32 $0x1AF70;
	v7 =	vld.idx.msk [tilespmem:v15+s20+$0x0], $0xffff;
	[tilespmem:s9+$0x20] =	vst v9;
	v9 =	vmul.f32 v13, v8;
	v8 =	vmul.f32 v14, v16  }
.LBB2_5:
0xc3: {  	v10 =	vld [tilespmem:s14+$0x20];
	s13 =	sadd.s32 $0x5, s13;
	v1 =	vmul.f32 v1, v5;
	s23 =	sadd.s32 $0x50, s23  }
0xc4: {  	v0 =	vmul.f32 v0, v2;
	v5 =	vld [tilespmem:s23+$0x20];
	p0 =	slt.u32 s13, $0x78  }
0xc5: {  	v6 =	vadd.f32 v9, v6;
	v2 =	vld [tilespmem:s14+$0xFFFFFFF0]  }
0xc6: {  	v4 =	vadd.f32 v8, v4;
	v9 =	vld [tilespmem:s14+$0x0]  }
0xc7: {  	v1 =	vadd.f32 v1, v3;
	v8 =	vld [tilespmem:s14+$0x10];
	[tilespmem:s9+$0xFFFFFFE0] =	vst v6  }
0xc8: {  	v0 =	vadd.f32 v0, v7;
	v3 =	vld [tilespmem:s14+$0xFFFFFFE0];
	[tilespmem:s9+$0xFFFFFFF0] =	vst v4  }
0xc9: {  	v4 =	vld [tilespmem:s23+$0xFFFFFFE0];
	[tilespmem:s9+$0x0] =	vst v1  }
0xca: {  	v1 =	vld [tilespmem:s23+$0xFFFFFFF0];
	[tilespmem:s9+$0x10] =	vst v0  }
0xcb: {  	v0 =	vld.idx.msk [tilespmem:v10+s5+$0x0], $0xffff  }
0xcc: {  	v5 =	vld.idx.msk [tilespmem:v5+s5+$0x0], $0xffff  }
0xcd: {  	v6 =	vld [tilespmem:s23+$0x0]  }
0xce: {  	v7 =	vld [tilespmem:s23+$0x10]  }
0xcf: {  	v2 =	vld.idx.msk [tilespmem:v2+s5+$0x0], $0xffff  }
0xd0: {  	v3 =	vld.idx.msk [tilespmem:v3+s5+$0x0], $0xffff  }
0xd1: {  	v0 =	vshll.u32 v0, $0x6;
	v9 =	vld.idx.msk [tilespmem:v9+s5+$0x0], $0xffff  }
0xd2: {  	v0 =	vadd.s32 v5, v0;
	v8 =	vld.idx.msk [tilespmem:v8+s5+$0x0], $0xffff  }
0xd3: {  	v4 =	vld.idx.msk [tilespmem:v4+s5+$0x0], $0xffff  }
0xd4: {  	v1 =	vld.idx.msk [tilespmem:v1+s5+$0x0], $0xffff  }
0xd5: {  	v2 =	vshll.u32 v2, $0x6;
	v5 =	vld.idx.msk [tilespmem:v6+s5+$0x0], $0xffff  }
0xd6: {  	v3 =	vshll.u32 v3, $0x6;
	v6 =	vld.idx.msk [tilespmem:v7+s5+$0x0], $0xffff  }
0xd7: {  	s8 =	sadd.s32 $0x50, s8;
	v7 =	vshll.u32 v9, $0x6;
	v9 =	vld.idx.msk [tilespmem:v0+s19+$0x0], $0xffff  }
0xd8: {  	v8 =	vshll.u32 v8, $0x6;
	v10 =	vld [tilespmem:s8+$0x20]  }
0xd9: {  	v3 =	vadd.s32 v4, v3;
	v4 =	vld.idx.msk [tilespmem:v0+s20+$0x0], $0xffff  }
0xda: {  	v12 =	vadd.s32 v1, v2;
	v11 =	vld [tilespmem:s8+$0xFFFFFFE0]  }
0xdb: {  	v7 =	vadd.s32 v5, v7;
	v13 =	vld [tilespmem:s8+$0xFFFFFFF0]  }
0xdc: {  	v14 =	vadd.s32 v6, v8;
	v1 =	vld [tilespmem:s8+$0x0]  }
0xdd: {  	v0 =	vld [tilespmem:s8+$0x10];
	v2 =	vmul.f32 v10, v9  }
0xde: {  	v8 =	vld.idx.msk [tilespmem:v3+s19+$0x0], $0xffff  }
0xdf: {  	v10 =	vld.idx.msk [tilespmem:v12+s19+$0x0], $0xffff;
	v4 =	vadd.f32 v2, v4  }
0xe0: {  	s9 =	sadd.s32 $0x50, s9;
	v5 =	vld.idx.msk [tilespmem:v7+s19+$0x0], $0xffff  }
.Ltmp3:
0xe1: {  	v2 =	vld.idx.msk [tilespmem:v14+s19+$0x0], $0xffff;
	[tilespmem:s9+$0x20] =	vst v4;
	(pc) =	sbr.rel @p0 .LBB2_5-.Ltmp3, $4  }
0xe2: {  	v6 =	vld.idx.msk [tilespmem:v3+s20+$0x0], $0xffff  }
0xe3: {  	v4 =	vld.idx.msk [tilespmem:v12+s20+$0x0], $0xffff  }
0xe4: {  	v9 =	vmul.f32 v11, v8;
	v3 =	vld.idx.msk [tilespmem:v7+s20+$0x0], $0xffff  }
0xe5: {  	s14 =	sadd.s32 $0x50, s14;
	v8 =	vmul.f32 v13, v10;
	v7 =	vld.idx.msk [tilespmem:v14+s20+$0x0], $0xffff  }
0xe6: {  	_ = 	snop  }
0xe7: {  	v1 =	vmul.f32 v1, v5;
	v62 =	vadd.f32 v9, v6  }
0xe8: {  	v0 =	vmul.f32 v0, v2;
	v63 =	vadd.f32 v8, v4  }
.Ltmp4:
0xe9: {  	[tilespmem:s9+$0xFFFFFFE0] =	vst v62;
	v1 =	vadd.f32 v1, v3;
	(pc) =	sbr.rel @p1 .LBB2_8-.Ltmp4, $4  }
0xea: {  	[tilespmem:s9+$0xFFFFFFF0] =	vst v63;
	v0 =	vadd.f32 v0, v7  }
0xeb: {  	s8 =	sshrl.u32 s12, $0x3;
	[tilespmem:s9+$0x0] =	vst v1  }
0xec: {  	s23 =	sadd.s32 s4, s8;
	[tilespmem:s9+$0x10] =	vst v0  }
0xed: {  	[hbm4b:s23+s5] =	stream.linear.scatter [tilespmem:s31], [sflag:$0x4], $0x7D0, $0x38;
	[tilespmem:$0x1E700] =	vst v63  }
0xee: {  	s9 =	sadd.s32 $0x1F4, s8  }
0xef: {  	s12 =	sadd.s32 s7, s9  }
0xf0: {  	[tilespmem:s24], [sflag:$0x2] =	stream.linear.gather [hbm4b:s12+s5], $0x7D0, $0x38;
	[tilespmem:$0x1E700] =	vst v63  }
.Ltmp5:
0xf1: {  	s22 =	sadd.s32 s7, s8;
	(pc) =	sbr.rel .LBB2_2-.Ltmp5, $4  }
0xf2: {  	s8 =	sadd.s32 $0xC36F4, s22  }
0xf3: {  	[tilespmem:s25], [sflag:$0x2] =	stream.linear.gather [hbm4b:s8+s5], $0x7D0, $0x38;
	[tilespmem:$0x1E700] =	vst v63  }
0xf4: {  	s21 =	sadd.s32 $0x1, s21;
	s23 =	sadd.s32 s3, s9  }
0xf5: {  	[tilespmem:s26], [sflag:$0x2] =	stream.linear.gather [hbm4b:s23+s5], $0x7D0, $0x38;
	[tilespmem:$0x1E700] =	vst v63  }
.LBB2_9:
0xf6: {  	_ =	sfence.sel $0x180000  }
0xf7: {  	[bflag:$0x0] =	sbarrier.arrive $0xFFFF  }
0xf8: {  	_ =	strace $0x9000004A  }
0xf9: {  	s0 =	stileid.u32;
	[bflag:$0x2] =	sbarrier.arrive $0xFFFF  }
0xfa: {  	p0 =	sne.s32 s0, $0x0;
	s0 =	rddreg [dreg:$0x4]  }
0xfb: {  	s0 =	sadd.s32 @!p0 $0x100000, s0  }
0xfc: {  	[sflag:s0] =	ssyncadd.tile.s32 @!p0 $0x1;
	_ =	shalt  }
.Lfunc_end2:
_tile_overlayer_lowered:
.L_overlay_start_2:
0xfd: {  	(tag) =	ssettag $0x2  }
0xfe: {  	s0 =	rddreg [dreg:$0x0];
	s2 =	stileid.u32  }
0xff: {  	s1 =	rddreg [dreg:$0x1];
	p0 =	sne.s32 s2, $0x0  }
0x100: {  	s3 =	rddreg [dreg:$0x2];
	[bflag:$0x3] =	sbarrier.arrive $0xFFFF;
	s2 =	simm.s32 @!p0 $0x1C05  }
0x101: {  	[timem:s3], [sflag:s2] =	dma.local @!p0 [hbm:s0], s1  }
0x102: {  	s0 =	simm.s32 @!p0 $0x5  }
0x103: {  	_ =	swait.ge @!p0 [sflag:s0], s1  }
0x104: {  	s1 =	ssub.s32 @!p0 $0x0, s1;
	[sflag:s0] =	ssyncset.done @!p0 $0x0  }
0x105: {  	[sflag:s0] =	ssyncadd.s32 @!p0 s1  }
0x106: {  	[bflag:$0x3] =	sbarrier.arrive $0xFFFF  }
0x107: {  	_ =	shalt  }

// kernel: sparse-core-data-format-call.cloned.1.call-start
scs
called_computation_lowered:
.L_overlay_start_0:
0x0: {  	s2 =	sld [smem:$0x3FD9]  }
0x1: {  	s3 =	sld [smem:$0x3FFE];
	_ =	sdelay $0x1  }
0x2: {  	s1 =	srdreg.scid  }
0x3: {  	s0 =	sand.u32 $0x1, s1  }
0x4: {  	s18 =	sshll.u32 s0, $0xA;
	s2 =	sadd.s32 s3, s2  }
0x5: {  	s2 =	sadd.s32 s2, s18  }
0x6: {  	[smem:$0x3FC3] =	sst s2  }
0x7: {  	_ = 	snop  }
0x8: {  	s2 =	sld [smem:$0x3FC9];
	(tm) =	ssettm $0x1  }
0x9: {  	s19 =	sld [smem:$0x3FFB];
	_ =	sdelay $0x3  }
0xa: {  	_ =	strace s19  }
0xb: {  	s3 =	sld [smem:$0x3FFC];
	_ =	sdelay $0x3  }
0xc: {  	_ =	strace s3  }
0xd: {  	s3 =	sld [smem:$0x3FFD];
	_ =	sdelay $0x3  }
0xe: {  	_ =	strace s3  }
0xf: {  	_ =	strace $0x8FFFFFFF  }
0x10: {  	s20 =	sld [smem:$0x3FDB];
	_ =	sdelay $0x1  }
0x11: {  	s4 =	simm.s32 $_scs_section_size  }
0x12: {  	s5 =	simm.s32 $_size__tile_overlayer_lowered;
	s6 =	simm.s32 $_tile_overlayer_lowered  }
0x13: {  	s23 =	simm.s32 $0x1BFF;
	s22 =	sshll.u32 s6, $0x1;
	s3 =	sadd.s32 s4, s20  }
0x14: {  	s7 =	simm.s32 $0x0;
	s21 =	sshll.u32 s5, $0x1;
	s5 =	sadd.s32 s22, s3  }
0x15: {  	[timem:s7], [sflag:s23] =	dma.local [hbm:s5], s21  }
0x16: {  	_ =	swait.ge [sflag:s23], s21  }
0x17: {  	s4 =	ssub.s32 $0x0, s21;
	[sflag:s23] =	ssyncset.done $0x0  }
0x18: {  	[sflag:s23] =	ssyncadd.s32 s4;
	_ =	sdelay $0x1  }
0x19: {  	s24 =	simm.s32 $0x1B8B  }
0x1a: {  	_ =	swait.ge [sflag:s24], $0x1  }
0x1b: {  	[sflag:s24] =	ssyncset.done $0x0  }
0x1c: {  	s26 =	simm.s32 $0x1B8E;
	s25 =	sld [smem:$0x3FFE];
	[sflag:s24] =	ssyncadd.s32 $0xFFFFFFFF  }
0x1d: {  	s27 =	simm.s32 $execute0_lowered;
	[smem:$0x3FD2] =	sst s26  }
0x1e: {  	s5 =	sshll.u32 s27, $0x1;
	_ =	strace $0x80000046;
	[dreg:$0x1] =	wrdreg $0xFFFFFFFF  }
0x1f: {  	s28 =	simm.s32 $_size_execute0_lowered;
	s3 =	sadd.s32 s3, s5;
	[dreg:$0x0] =	wrdreg $0x0  }
0x20: {  	s5 =	sshll.u32 s28, $0x1;
	[dreg:$0x2] =	wrdreg s3  }
0x21: {  	[dreg:$0x3] =	wrdreg s5  }
0x22: {  	[dreg:$0x4] =	wrdreg $0xC0  }
0x23: {  	_ =	task [dreg:s7], $0x5FFFF  }
0x24: {  	[dreg:$0x1] =	wrdreg $0xFFFFFFFF  }
0x25: {  	[dreg:$0x0] =	wrdreg $0x60  }
0x26: {  	[dreg:$0x2] =	wrdreg s2  }
0x27: {  	[dreg:$0x3] =	wrdreg s25  }
0x28: {  	[dreg:$0x4] =	wrdreg $0x9  }
0x29: {  	_ =	task.clear_ibuf [dreg:s7], $0x5FFFF;
	_ =	strace $0x90000046  }
0x2a: {  	s29 =	simm.s32 $0x9;
	_ =	strace $0x80000048  }
0x2b: {  	_ =	swait.ge [sflag:s29], $0x1  }
0x2c: {  	[sflag:s29] =	ssyncadd.s32 $0xFFFFFFFF  }
0x2d: {  	_ =	strace $0x90000048  }
0x2e: {  	_ =	sfence  }
0x2f: {  	s30 =	sld [smem:$0x0];
	_ =	sdelay $0x2  }
0x30: {  	s31 =	sshll.u32 s1, $0xD;
	s1 =	sshrl.u32 s1, $0x2  }
0x31: {  	s3 =	sand.u32 $0x4000, s31;
	s1 =	sadd.s32 s1, s30  }
0x32: {  	s0 =	sor.u32 s3, s0;
	s1 =	sshll.u32 s1, $0x11  }
0x33: {  	s0 =	sor.u32 s1, s0  }
0x34: {  	s0 =	sadd.s32 $0x8F2B, s0  }
0x35: {  	[sflag:s0] =	ssyncadd.remote.s32 $0x1  }
0x36: {  	_ =	sfence.sel $0xFFFF  }
0x37: {  	[dreg:$0x0] =	wrdreg $0xFFFFFFFF;
	(pc) =	sbr.abs _section_cstart, $3  }
0x38: {  	[dreg:$0x1] =	wrdreg $0xFFFFFFFF  }
0x39: {  	_ =	task.clear_ibuf [dreg:s7], $0x2FFFF;
	_ =	strace $0x9FFFFFFF  }
0x3a: {  	(tm) =	ssettm $0x7FFFFFFF  }
0x3b: {  	_ =	shalt  }
tec
execute0_lowered:
.L_overlay_start_1:
0x0: {  	(tag) =	ssettag $0x1  }
0x1: {  	s0 =	stileid.u32;
	s7 =	rddreg [dreg:$0x0]  }
0x2: {  	s1 =	srdreg.scid;
	s4 =	rddreg [dreg:$0x1]  }
0x3: {  	s30 =	simm.s32 $0x2;
	s10 =	simm.s32 $0x0;
	s14 =	simm.s32 $0x0  }
0x4: {  	s15 =	simm.s32 $0x0;
	s11 =	simm.s32 $0x0;
	s13 =	simm.s32 $0x0  }
0x5: {  	s2 =	sand.u32 $0x1, s1;
	s3 =	sshll.u32 s0, $0x7;
	s1 =	rddreg [dreg:$0x2]  }
0x6: {  	_ =	strace $0x80000047;
	s5 =	ssub.s32 $0xC300, s3;
	s6 =	ssub.s32 $0x2, s2  }
.Ltmp0:
0x7: {  	s5 =	sshrl.u32 s5, $0xB;
	s8 =	sshrl.u32 s6, $0x1;
	(pc) =	sbr.rel .LBB1_1-.Ltmp0, $4  }
0x8: {  	s4 =	sadd.s32 $0xC00, s4;
	s9 =	sadd.s32 $0x1, s5;
	s6 =	ssub.s32 s6, s8  }
0x9: {  	s31 =	sshll.u32 s2, $0x4;
	s5 =	simm.s32 $0x1;
	s6 =	smul.u32 s9, s6  }
0xa: {  	s12 =	smov.u32 s3;
	s7 =	sadd.s32 s7, s31;
	[sflag:s5] =	ssyncpa.u1 $0x0  }
0xb: {  	s9 =	simm.s32 $0x0;
	[sflag:s30] =	ssyncpa.u1 $0x0;
	s8 =	sadd.s32 $0x1, s6  }
.LBB1_4:
0xc: {  	s21 =	simm.s32 $0x0  }
.LBB1_8:
0xd: {  	_ =	sdelay $0x3  }
0xe: {  	v6 =	vld [tilespmem:s18+$0xFFFFFFC0];
	[tilespmem:v0+s20+$0x30 ss:$0x1] =	vst.idx.msk @p0 $0xffff, v2  }
0xf: {  	v58 =	vld [tilespmem:s18+$0xFFFFFFD0];
	[tilespmem:v0+s20+$0x40 ss:$0x1] =	vst.idx.msk @p0 $0xffff, v3;
	s21 =	sadd.s32 @p0 $0x80, s21  }
0x10: {  	v59 =	vld [tilespmem:s18+$0xFFFFFFE0];
	[tilespmem:v0+s20+$0x50 ss:$0x1] =	vst.idx.msk @p0 $0xffff, v5;
	s19 =	smov.u32 @p0 s21  }
0x11: {  	v60 =	vld [tilespmem:s18+$0xFFFFFFF0];
	[tilespmem:v0+s20+$0x60 ss:$0x1] =	vst.idx.msk @p0 $0xffff, v4;
	s19 =	sand.u32 $0x3F80, s19  }
0x12: {  	v61 =	vld [tilespmem:s18+$0x0];
	[tilespmem:v0+s19+$0x70 ss:$0x1] =	vst.idx.msk $0xffff, v1  }
0x13: {  	v62 =	vld [tilespmem:s18+$0x10];
	[tilespmem:v0+s19+$0x0 ss:$0x1] =	vst.idx.msk $0xffff, v6  }
0x14: {  	v63 =	vld [tilespmem:s18+$0x20];
	[tilespmem:v0+s19+$0x10 ss:$0x1] =	vst.idx.msk $0xffff, v58  }
0x15: {  	[tilespmem:v0+s19+$0x20 ss:$0x1] =	vst.idx.msk $0xffff, v59  }
0x16: {  	[tilespmem:v0+s19+$0x30 ss:$0x1] =	vst.idx.msk $0xffff, v60  }
0x17: {  	[tilespmem:v0+s19+$0x40 ss:$0x1] =	vst.idx.msk $0xffff, v61  }
0x18: {  	[tilespmem:v0+s19+$0x50 ss:$0x1] =	vst.idx.msk $0xffff, v62  }
0x19: {  	[tilespmem:v0+s19+$0x60 ss:$0x1] =	vst.idx.msk $0xffff, v63  }
.LBB1_9:
0x1a: {  	s18 =	sand.u32 $0x1FFFFFF, s11  }
0x1b: {  	s19 =	smulhi.u32 $0x14F8B59, s18;
	_ =	sdelay $0x1  }
0x1c: {  	s19 =	sshrl.u32 s19, $0x8  }
0x1d: {  	s19 =	smul.u32 $0xC350, s19  }
0x1e: {  	s15 =	smul.u32 $0xC3500, s15  }
0x1f: {  	s18 =	ssub.s32 s18, s19  }
0x20: {  	s15 =	sadd.s32 s4, s15;
	s18 =	sshll.u32 s18, $0x4  }
0x21: {  	s15 =	sadd.s32 s18, s15  }
0x22: {  	[hbm4b:s15+s9] =	stream.linear.scatter [tilespmem:s17], [sflag:$0x2], s16, $0x38;
	[tilespmem:$0x10000] =	vst v63  }
.LBB1_10:
0x23: {  	p0 =	slt.u32 s13, $0x2  }
0x24: {  	p1 =	sgt.s32 @!p0 s14, $0xC2D0  }
0x25: {  	s15 =	smov.u32 s14;
	s16 =	sshra.s32 @!p0 s14, $0x1F;
	p1 =	por !p1, p0  }
0x26: {  	s14 =	sand.u32 @!p0 s16, s14;
	s15 =	simm.s32 @p1 $0xC2D0  }
0x27: {  	s14 =	ssub.s32 @!p0 s15, s14  }
0x28: {  	s14 =	sadd.s32 @!p0 $0xFFFF3D30, s14  }
0x29: {  	s15 =	sshll.u32 @!p0 s14, $0x7  }
0x2a: {  	p1 =	sgt.s32 @!p0 s14, $0x7F;
	s14 =	ssub.s32 @!p0 $0x4000, s15  }
0x2b: {  	s16 =	sadd.s32 $0x800, s12;
	p1 =	por !p1, p0;
	s14 =	sand.u32 @!p0 $0x3FFFFF80, s14  }
0x2c: {  	s14 =	simm.s32 @!p1 $0x0;
	p1 =	sgt.s32 s16, $0xC34F  }
0x2d: {  	s16 =	smov.u32 @p1 s3;
	p1 =	sne.s32 s13, s8  }
.Ltmp1:
0x2e: {  	_ = 	snop;
	(pc) =	sbr.rel @!p1 .LBB1_11-.Ltmp1, $4  }
0x2f: {  	s10 =	sadd.s32 $0x4000, s10;
	s15 =	simm.s32 @!p0 $0x2  }
0x30: {  	_ =	swait.ge @!p0 [sflag:s15], s14;
	s17 =	ssub.s32 @!p0 $0x0, s14;
	s14 =	smov.u32 s11  }
0x31: {  	s13 =	sadd.s32 $0x1, s13;
	s11 =	smov.u32 s12;
	[sflag:s15] =	ssyncset.done @!p0 $0x0  }
0x32: {  	s12 =	smov.u32 s16;
	[sflag:s15] =	ssyncadd.s32 @!p0 s17;
	s15 =	smov.u32 s2  }
.LBB1_1:
0x33: {  	p0 =	sge.u32 s13, s6  }
0x34: {  	p1 =	sgt.s32 @!p0 s12, $0xC2D0  }
0x35: {  	s16 =	smov.u32 s12;
	s17 =	sshra.s32 @!p0 s12, $0x1F;
	p1 =	por !p1, p0  }
0x36: {  	s17 =	sand.u32 @!p0 s17, s12;
	s16 =	simm.s32 @p1 $0xC2D0  }
0x37: {  	s16 =	ssub.s32 @!p0 s16, s17  }
0x38: {  	s31 =	sadd.s32 $0xFFFFFFFF, s13;
	s18 =	sxor.u32 @!p0 $0xFFFFFFFF, s13;
	s16 =	sadd.s32 @!p0 $0xFFFF3D30, s16  }
0x39: {  	s19 =	simm.s32 @!p0 $0x80;
	s20 =	simm.s32 @!p0 $0x100;
	s17 =	sshll.u32 @!p0 s16, $0x7  }
0x3a: {  	p1 =	sgt.s32 @!p0 s16, $0x7F;
	s16 =	ssub.s32 @!p0 $0x4000, s17;
	s17 =	sshll.u32 @!p0 s18, $0xE  }
0x3b: {  	p1 =	por !p1, p0;
	s18 =	sshll.u32 @!p0 s12, $0x5;
	s16 =	sand.u32 @!p0 $0x3FFFFF80, s16  }
0x3c: {  	s17 =	sand.u32 @!p0 $0x4000, s17;
	s18 =	sadd.s32 @!p0 s18, s7;
	s16 =	simm.s32 @!p1 $0x0  }
0x3d: {  	[tilespmem:s17], [sflag:$0x1] =	stream.strided.gather @!p0 [hbm4b:s18+s19], s16, s20, s19, $0x38;
	[tilespmem:$0x10000] =	vst v63  }
0x3e: {  	p0 =	sge.u32 s31, s6  }
.Ltmp2:
0x3f: {  	_ = 	snop;
	(pc) =	sbr.rel @p0 .LBB1_10-.Ltmp2, $1  }
0x40: {  	_ =	sdelay $0x3  }
0x41: {  	p0 =	sgt.s32 s11, $0xC2D0;
	s16 =	smov.u32 s11;
	s17 =	sshra.s32 s11, $0x1F  }
0x42: {  	s16 =	simm.s32 @!p0 $0xC2D0;
	s17 =	sand.u32 s17, s11  }
0x43: {  	s16 =	ssub.s32 s16, s17  }
0x44: {  	s16 =	sadd.s32 $0xFFFF3D30, s16  }
0x45: {  	s30 =	sshll.u32 s16, $0x7  }
0x46: {  	s17 =	ssub.s32 $0x4000, s30  }
0x47: {  	p0 =	sgt.s32 s16, $0x7F;
	s16 =	sand.u32 $0x3FFFFF80, s17;
	s17 =	sadd.s32 $0x80, s11  }
0x48: {  	s16 =	simm.s32 @p0 $0x0;
	p0 =	slt.s32 s17, $0xC350  }
0x49: {  	s17 =	simm.s32 @!p0 $0xC350  }
0x4a: {  	s20 =	ssub.s32 s17, s11  }
0x4b: {  	p0 =	slt.s32 s20, $0x1  }
.Ltmp3:
0x4c: {  	_ = 	snop;
	(pc) =	sbr.rel @p0 .LBB1_9-.Ltmp3, $4  }
0x4d: {  	_ = 	snop  }
0x4e: {  	s19 =	sshll.u32 s13, $0xE;
	_ =	swait.ge [sflag:s5], s16  }
0x4f: {  	s31 =	sand.u32 $0x4000, s19;
	s18 =	ssub.s32 $0x0, s16;
	[sflag:s5] =	ssyncset.done $0x0  }
0x50: {  	s17 =	sor.u32 $0x8000, s31;
	[sflag:s5] =	ssyncadd.s32 s18  }
0x51: {  	p1 =	sne.s32 s20, $0x1  }
.Ltmp4:
0x52: {  	v0 =	vmov s17;
	(pc) =	sbr.rel @!p1 .LBB1_4-.Ltmp4, $4  }
0x53: {  	_ = 	snop  }
0x54: {  	s18 =	sand.u32 $0x4000, s10  }
0x55: {  	s18 =	sor.u32 $0x40, s18  }
0x56: {  	s19 =	simm.s32 $0x0;
	s21 =	sadd.s32 $0xFFFFFFFF, s20;
	p0 =	por $0x0, $0x0;
	v1 =	vld [tilespmem:s18+$0x30]  }
0x57: {  	v4 =	vld [tilespmem:s18+$0xFFFFFFC0]  }
0x58: {  	v6 =	vld [tilespmem:s18+$0xFFFFFFD0]  }
0x59: {  	v7 =	vld [tilespmem:s18+$0xFFFFFFE0];
	p1 =	sne.s32 s21, $0x1  }
.Ltmp5:
0x5a: {  	v2 =	vld [tilespmem:s18+$0xFFFFFFF0];
	s20 =	sand.u32 $0x3F80, s19;
	(pc) =	sbr.rel @!p1 .LBB1_6-.Ltmp5, $4  }
0x5b: {  	v3 =	vld [tilespmem:s18+$0x0];
	[tilespmem:v0+s20+$0x70 ss:$0x1] =	vst.idx.msk $0xffff, v1  }
0x5c: {  	v5 =	vld [tilespmem:s18+$0x10];
	[tilespmem:v0+s20+$0x0 ss:$0x1] =	vst.idx.msk $0xffff, v4  }
0x5d: {  	v4 =	vld [tilespmem:s18+$0x20];
	[tilespmem:v0+s20+$0x10 ss:$0x1] =	vst.idx.msk $0xffff, v6;
	s18 =	sadd.s32 $0x80, s18  }
0x5e: {  	s22 =	sadd.s32 $0xFFFFFFFF, s21;
	p0 =	por $0x1, $0x1;
	s21 =	simm.s32 $0x0;
	[tilespmem:v0+s20+$0x20 ss:$0x1] =	vst.idx.msk $0xffff, v7;
	v1 =	vld [tilespmem:s18+$0x30]  }
.LBB1_7:
0x5f: {  	p1 =	sne.s32 s22, $0x1;
	v6 =	vld [tilespmem:s18+$0xFFFFFFC0];
	[tilespmem:v0+s20+$0x30 ss:$0x1] =	vst.idx.msk $0xffff, v2  }
0x60: {  	v7 =	vld [tilespmem:s18+$0xFFFFFFD0];
	[tilespmem:v0+s20+$0x40 ss:$0x1] =	vst.idx.msk $0xffff, v3  }
0x61: {  	s21 =	sadd.s32 $0x80, s21;
	v8 =	vld [tilespmem:s18+$0xFFFFFFE0];
	[tilespmem:v0+s20+$0x50 ss:$0x1] =	vst.idx.msk $0xffff, v5  }
.Ltmp6:
0x62: {  	v2 =	vld [tilespmem:s18+$0xFFFFFFF0];
	[tilespmem:v0+s20+$0x60 ss:$0x1] =	vst.idx.msk $0xffff, v4;
	s20 =	sand.u32 $0x3F80, s21;
	(pc) =	sbr.rel @p1 .LBB1_7-.Ltmp6, $4  }
0x63: {  	v3 =	vld [tilespmem:s18+$0x0];
	[tilespmem:v0+s20+$0x70 ss:$0x1] =	vst.idx.msk $0xffff, v1  }
0x64: {  	[tilespmem:v0+s20+$0x0 ss:$0x1] =	vst.idx.msk $0xffff, v6;
	v5 =	vld [tilespmem:s18+$0x10]  }
0x65: {  	[tilespmem:v0+s20+$0x10 ss:$0x1] =	vst.idx.msk $0xffff, v7;
	v4 =	vld [tilespmem:s18+$0x20];
	s18 =	sadd.s32 $0x80, s18  }
0x66: {  	s22 =	sadd.s32 $0xFFFFFFFF, s22;
	v1 =	vld [tilespmem:s18+$0x30];
	[tilespmem:v0+s20+$0x20 ss:$0x1] =	vst.idx.msk $0xffff, v8  }
.Ltmp7:
0x67: {  	_ = 	snop;
	(pc) =	sbr.rel .LBB1_8-.Ltmp7, $1  }
0x68: {  	_ =	sdelay $0x3  }
.LBB1_6:
.Ltmp8:
0x69: {  	(pc) =	sbr.rel .LBB1_8-.Ltmp8, $2  }
0x6a: {  	_ =	sdelay $0x2  }
0x6b: {  	s21 =	simm.s32 $0x0  }
.LBB1_11:
0x6c: {  	_ =	sfence.sel $0x180000  }
0x6d: {  	s2 =	simm.s32 $0x1;
	[bflag:$0x0] =	sbarrier.arrive $0xFFFF  }
0x6e: {  	s31 =	simm.s32 $0x2;
	[sflag:s2] =	ssyncpa.u1 $0x1  }
0x6f: {  	[sflag:s31] =	ssyncpa.u1 $0x1  }
0x70: {  	p0 =	sne.s32 s0, $0x0;
	_ =	strace $0x90000047  }
0x71: {  	s0 =	sadd.s32 @!p0 $0x100000, s1;
	[bflag:$0x2] =	sbarrier.arrive $0xFFFF  }
0x72: {  	[sflag:s0] =	ssyncadd.tile.s32 @!p0 $0x1;
	_ =	shalt  }
.Lfunc_end1:
_tile_overlayer_lowered:
.L_overlay_start_2:
0x73: {  	(tag) =	ssettag $0x2  }
0x74: {  	s0 =	rddreg [dreg:$0x0];
	s2 =	stileid.u32  }
0x75: {  	s1 =	rddreg [dreg:$0x1];
	p0 =	sne.s32 s2, $0x0  }
0x76: {  	s3 =	rddreg [dreg:$0x2];
	[bflag:$0x3] =	sbarrier.arrive $0xFFFF;
	s2 =	simm.s32 @!p0 $0x1C01  }
0x77: {  	[timem:s3], [sflag:s2] =	dma.local @!p0 [hbm:s0], s1  }
0x78: {  	s0 =	simm.s32 @!p0 $0x1  }
0x79: {  	_ =	swait.ge @!p0 [sflag:s0], s1  }
0x7a: {  	s1 =	ssub.s32 @!p0 $0x0, s1;
	[sflag:s0] =	ssyncset.done @!p0 $0x0  }
0x7b: {  	[sflag:s0] =	ssyncadd.s32 @!p0 s1  }
0x7c: {  	[bflag:$0x3] =	sbarrier.arrive $0xFFFF  }
0x7d: {  	_ =	shalt  }

</sc_bundles>
